<compile_context>
chip_gen: v7x
topology: tpu7x:2x2x1
jax: 0.10.2.dev20260603
libtpu: 0.0.44.dev20260713+nightly
codegen_flags: <defaults>
</compile_context>

<pallas_src>
import functools

import jax
import jax.numpy as jnp
from jax import lax
from jax.experimental import pallas as pl
from jax.experimental.pallas import tpu as pltpu
from jax.experimental.pallas import tpu_sc as plsc

NUM_EMB = 100000
NUM_NEW = 128
FEATURES = 2048

_NC = 2
_NS = 16
_NW = _NC * _NS
_L = 16

_B = 4 * 4096
_BPW = _B // _NW
_CH = 8
_NBUF = 4
_NCHUNK = _BPW // _CH
_NWIN = _BPW // _L


def _body(emb_hbm, new_hbm, x_hbm, out_hbm,
          idx_main, ofl_pos, ofl_idx, rows_a, rows_b, rows_c, rows_d,
          rows_fix,
          gsem_a, gsem_b, gsem_c, gsem_d, wsem_a, wsem_b, wsem_c, wsem_d,
          fsem):
  wid = lax.axis_index("s") * _NC + lax.axis_index("c")
  base = wid * _BPW

  pltpu.sync_copy(x_hbm.at[pl.ds(base, _BPW)], idx_main)

  def win(i, cnt):
    v = idx_main[pl.ds(i * _L, _L)]
    ovf = v >= NUM_EMB
    m = jnp.where(ovf, 1, 0)
    idx_main[pl.ds(i * _L, _L)] = jnp.where(ovf, NUM_EMB - 1, v)
    incl = plsc.cumsum(m)
    slots = cnt + incl - m
    pos = base + i * _L + lax.iota(jnp.int32, _L)
    plsc.store_scatter(ofl_pos, [slots >> 4, slots & (_L - 1)], pos, mask=ovf)
    plsc.store_scatter(ofl_idx, [slots >> 4, slots & (_L - 1)], v - NUM_EMB,
                       mask=ovf)
    return cnt + incl[_L - 1]

  cnt = lax.fori_loop(0, _NWIN, win, 0)

  @pl.when(cnt > 0)
  def _():
    p0 = jnp.full((_L,), ofl_pos[0, :][0], jnp.int32)
    i0 = jnp.full((_L,), ofl_idx[0, :][0], jnp.int32)
    slots = cnt + lax.iota(jnp.int32, _L)
    ones = slots >= 0
    plsc.store_scatter(ofl_pos, [slots >> 4, slots & (_L - 1)], p0, mask=ones)
    plsc.store_scatter(ofl_idx, [slots >> 4, slots & (_L - 1)], i0, mask=ones)

  bufs = (rows_a, rows_b, rows_c, rows_d)
  gsems = (gsem_a, gsem_b, gsem_c, gsem_d)
  wsems = (wsem_a, wsem_b, wsem_c, wsem_d)
  for g in range(_NBUF):
    pltpu.async_copy(emb_hbm.at[idx_main.at[pl.ds(g * _CH, _CH)]],
                     bufs[g], gsems[g])

  def step(gg, carry):
    for b in range(_NBUF):
      g = gg * _NBUF + b
      pltpu.make_async_copy(emb_hbm.at[idx_main.at[pl.ds(g * _CH, _CH)]],
                            bufs[b], gsems[b]).wait()
      pltpu.async_copy(bufs[b], out_hbm.at[pl.ds(base + g * _CH, _CH)],
                       wsems[b])
      pb = (b - 1) % _NBUF
      @pl.when((g >= 1) & (g - 1 + _NBUF < _NCHUNK))
      def _():
        pg = g - 1
        pltpu.make_async_copy(bufs[pb],
                              out_hbm.at[pl.ds(base + pg * _CH, _CH)],
                              wsems[pb]).wait()
        pltpu.async_copy(
            emb_hbm.at[idx_main.at[pl.ds((pg + _NBUF) * _CH, _CH)]],
            bufs[pb], gsems[pb])
    return carry
  lax.fori_loop(0, _NCHUNK // _NBUF, step, 0)
  @pl.when(cnt > 0)
  def _():
    pltpu.async_copy(new_hbm.at[ofl_idx.at[0]], rows_fix, fsem)
  for g in range((_NCHUNK // _NBUF) * _NBUF, _NCHUNK):
    b = g % _NBUF
    pltpu.make_async_copy(emb_hbm.at[idx_main.at[pl.ds(g * _CH, _CH)]],
                          bufs[b], gsems[b]).wait()
    pltpu.async_copy(bufs[b], out_hbm.at[pl.ds(base + g * _CH, _CH)],
                     wsems[b])
  for g in range(_NCHUNK - _NBUF, _NCHUNK):
    b = g % _NBUF
    pltpu.make_async_copy(bufs[b],
                          out_hbm.at[pl.ds(base + g * _CH, _CH)],
                          wsems[b]).wait()

  @pl.when(cnt > 0)
  def _():
    nfix = (cnt + _L - 1) // _L

    def fix(n, carry):
      pltpu.make_async_copy(new_hbm.at[ofl_idx.at[n]], rows_fix, fsem).wait()
      pltpu.async_copy(rows_fix, out_hbm.at[ofl_pos.at[n]], gsem_a).wait()
      @pl.when(n + 1 < nfix)
      def _():
        pltpu.async_copy(new_hbm.at[ofl_idx.at[n + 1]], rows_fix, fsem)
      return carry
    lax.fori_loop(0, nfix, fix, 0)


@jax.jit
def kernel(x, embedding, new_embedding):
  mesh = plsc.VectorSubcoreMesh(core_axis_name="c", subcore_axis_name="s")
  call = functools.partial(
      pl.kernel,
      out_type=jax.ShapeDtypeStruct((_B, FEATURES), jnp.float32),
      mesh=mesh,
      compiler_params=pltpu.CompilerParams(
          needs_layout_passes=False,
          disable_bounds_checks=True,
          disable_semaphore_checks=True,
          skip_device_barrier=True,
      ),
      scratch_types=[
          pltpu.VMEM((_BPW,), jnp.int32),
          pltpu.VMEM((_NWIN + 2, _L), jnp.int32),
          pltpu.VMEM((_NWIN + 2, _L), jnp.int32),
          pltpu.VMEM((_CH, FEATURES), jnp.float32),
          pltpu.VMEM((_CH, FEATURES), jnp.float32),
          pltpu.VMEM((_CH, FEATURES), jnp.float32),
          pltpu.VMEM((_CH, FEATURES), jnp.float32),
          pltpu.VMEM((_L, FEATURES), jnp.float32),
          pltpu.SemaphoreType.DMA,
          pltpu.SemaphoreType.DMA,
          pltpu.SemaphoreType.DMA,
          pltpu.SemaphoreType.DMA,
          pltpu.SemaphoreType.DMA,
          pltpu.SemaphoreType.DMA,
          pltpu.SemaphoreType.DMA,
          pltpu.SemaphoreType.DMA,
          pltpu.SemaphoreType.DMA,
      ],
  )(_body)
  out = call(embedding, new_embedding, x.astype(jnp.int32).reshape(_B))
  return out.reshape(x.shape + (FEATURES,))

# --- scband reference (transcript-rebuilt; emitter-appended) ---
"""Pipeline reference for scband-molmo-embedding-16398185136857 (READ-ONLY COPY).

The authoritative reference and input builder live on the scoring server;
editing this copy changes nothing except your own understanding.
"""

import jax, jax.numpy as jnp
import numpy as np

NUM_EMB = 100000
NUM_NEW = 128
FEATURES = 2048

def setup_inputs(seed: int = 0) -> dict:
    key = jax.random.key(seed)
    k1, k2, k3 = jax.random.split(key, 3)
    x = jax.random.randint(k1, (4, 4096), 0, NUM_EMB + NUM_NEW, dtype=jnp.int64) if jax.config.jax_enable_x64 else jax.random.randint(k1, (4, 4096), 0, NUM_EMB + NUM_NEW, dtype=jnp.int32)
    embedding = jax.random.normal(k2, (NUM_EMB, FEATURES), dtype=jnp.float32) * 0.02
    new_embedding = jax.random.normal(k3, (NUM_NEW, FEATURES), dtype=jnp.float32) * 0.02
    return {"x": x, "embedding": embedding, "new_embedding": new_embedding}

def reference(x, embedding, new_embedding):
    # Faithful translation of MolmoEmbedding.forward:
    # F.embedding(x, torch.cat([embedding, new_embedding], dim=0))
    table = jnp.concatenate([embedding, new_embedding], axis=0)
    return jnp.take(table, x, axis=0)

if __name__ == "__main__":
    import jax
    _d = setup_inputs()
    print(jax.jit(kernel)(*tuple(_d.values())))

</pallas_src>

<mosaic_0001>
#map = affine_map<(d0, d1) -> (0, 0)>
#map1 = affine_map<(d0, d1) -> (0)>
module attributes {stable_mosaic.version = 14 : i64} {
  func.func @_body(%arg0: i32, %arg1: i32, %arg2: memref<100000x2048xf32, #tpu.memory_space<hbm>>, %arg3: memref<128x2048xf32, #tpu.memory_space<hbm>>, %arg4: memref<16384xi32, #tpu.memory_space<hbm>>, %arg5: memref<16384x2048xf32, #tpu.memory_space<hbm>>, %arg6: memref<512xi32, #tpu.memory_space<vmem>>, %arg7: memref<34x16xi32, #tpu.memory_space<vmem>>, %arg8: memref<34x16xi32, #tpu.memory_space<vmem>>, %arg9: memref<8x2048xf32, #tpu.memory_space<vmem>>, %arg10: memref<8x2048xf32, #tpu.memory_space<vmem>>, %arg11: memref<8x2048xf32, #tpu.memory_space<vmem>>, %arg12: memref<8x2048xf32, #tpu.memory_space<vmem>>, %arg13: memref<16x2048xf32, #tpu.memory_space<vmem>>, %arg14: memref<!tpu.dma_semaphore, #tpu.memory_space<semaphore_mem>>, %arg15: memref<!tpu.dma_semaphore, #tpu.memory_space<semaphore_mem>>, %arg16: memref<!tpu.dma_semaphore, #tpu.memory_space<semaphore_mem>>, %arg17: memref<!tpu.dma_semaphore, #tpu.memory_space<semaphore_mem>>, %arg18: memref<!tpu.dma_semaphore, #tpu.memory_space<semaphore_mem>>, %arg19: memref<!tpu.dma_semaphore, #tpu.memory_space<semaphore_mem>>, %arg20: memref<!tpu.dma_semaphore, #tpu.memory_space<semaphore_mem>>, %arg21: memref<!tpu.dma_semaphore, #tpu.memory_space<semaphore_mem>>, %arg22: memref<!tpu.dma_semaphore, #tpu.memory_space<semaphore_mem>>) attributes {dimension_semantics = [#tpu.dimension_semantics<core_parallel>, #tpu.dimension_semantics<subcore_parallel>], iteration_bounds = array<i64: 2, 16>, scalar_prefetch = 0 : i64, scratch_operands = 17 : i64, tpu.core_type = #tpu.core_type<sc_vector_subcore>, window_params = [{transform_indices = #map}, {transform_indices = #map}, {transform_indices = #map1}, {transform_indices = #map}]} {
    %mul3A = arith.constant 2 : i32
    %mul3A_0 = arith.muli %arg1, %mul3A : i32
    %add3A = arith.addi %mul3A_0, %arg0 : i32
    %mul3A_1 = arith.constant 512 : i32
    %mul3A_2 = arith.muli %add3A, %mul3A_1 : i32
    "tpu.region"() ({
      %run_scoped3A = tpu.sem_alloc : memref<!tpu.dma_semaphore, #tpu.memory_space<semaphore_mem>>
      %dma_start3A_69 = tpu.memref_slice %arg4[%mul3A_2] : memref<16384xi32, #tpu.memory_space<hbm>> -> memref<512xi32, #tpu.memory_space<hbm>>
      %dma_start3A_70 = tpu.memref_slice %arg4[%mul3A_2] : memref<16384xi32, #tpu.memory_space<hbm>> -> memref<512xi32, #tpu.memory_space<hbm>>
      tpu.enqueue_dma source(%dma_start3A_70 : memref<512xi32, #tpu.memory_space<hbm>>) target(%arg6 : memref<512xi32, #tpu.memory_space<vmem>>) target_semaphore(%run_scoped3A : memref<!tpu.dma_semaphore, #tpu.memory_space<semaphore_mem>>)
      %dma_wait3A_71 = tpu.memref_slice %arg4[%mul3A_2] : memref<16384xi32, #tpu.memory_space<hbm>> -> memref<512xi32, #tpu.memory_space<hbm>>
      %dma_wait3A_72 = tpu.memref_slice %arg4[%mul3A_2] : memref<16384xi32, #tpu.memory_space<hbm>> -> memref<512xi32, #tpu.memory_space<hbm>>
      tpu.wait_dma2 semaphore(%run_scoped3A : memref<!tpu.dma_semaphore, #tpu.memory_space<semaphore_mem>>) src(%dma_wait3A_72 : memref<512xi32, #tpu.memory_space<hbm>>) dst(%arg6 : memref<512xi32, #tpu.memory_space<vmem>>)
      tpu.yield
    }) : () -> ()
    %scan3A = arith.constant 0 : i32
    %scan3A_3 = arith.constant 0 : i32
    %scan3A_4 = arith.constant 32 : i32
    %scan3A_5 = arith.addi %scan3A_3, %scan3A_4 : i32
    %scan3A_6 = arith.constant 1 : i32
    %scan3A_7 = scf.for %scan3A_69 = %scan3A_3 to %scan3A_5 step %scan3A_6 iter_args(%scan3A_70 = %scan3A) -> (i32)  : i32 {
      %mul3A_71 = arith.constant 16 : i32
      %mul3A_72 = arith.muli %scan3A_69, %mul3A_71 : i32
      %get3A = arith.index_cast %mul3A_72 : i32 to index
      %get3A_73 = tpu.vector_load %arg6[%get3A] {strides = array<i32>} : memref<512xi32, #tpu.memory_space<vmem>>, vector<16xi32>,
      %ge3A = arith.constant 100000 : i32
      %ge3A_74 = vector.broadcast %ge3A : i32 to vector<16xi32>
      %ge3A_75 = arith.cmpi sge, %get3A_73, %ge3A_74 : vector<16xi32>
      %jit3A = arith.constant 1 : i32
      %jit3A_76 = arith.constant 0 : i32
      %broadcast_in_dim3A = vector.broadcast %jit3A : i32 to vector<16xi32>
      %broadcast_in_dim3A_77 = vector.broadcast %jit3A_76 : i32 to vector<16xi32>
      %select_n3A = arith.select %ge3A_75, %broadcast_in_dim3A, %broadcast_in_dim3A_77 : vector<16xi1>, vector<16xi32>
      %jit3A_78 = arith.constant 99999 : i32
      %broadcast_in_dim3A_79 = vector.broadcast %jit3A_78 : i32 to vector<16xi32>
      %select_n3A_80 = arith.select %ge3A_75, %broadcast_in_dim3A_79, %get3A_73 : vector<16xi1>, vector<16xi32>
      %mul3A_81 = arith.constant 16 : i32
      %mul3A_82 = arith.muli %scan3A_69, %mul3A_81 : i32
      %swap3A = arith.index_cast %mul3A_82 : i32 to index
      %swap3A_83 = tpu.vector_load %arg6[%swap3A] {strides = array<i32>} : memref<512xi32, #tpu.memory_space<vmem>>, vector<16xi32>,
      tpu.vector_store %arg6[%swap3A], %select_n3A_80 {strides = array<i32>} : memref<512xi32, #tpu.memory_space<vmem>>, vector<16xi32>,
      %broadcast_in_dim3A_84 = arith.constant true
      %broadcast_in_dim3A_85 = vector.broadcast %broadcast_in_dim3A_84 : i1 to vector<16xi1>
      %masked_cumsum3A = tpu.scan <sum>, %select_n3A masked %broadcast_in_dim3A_85 : vector<16xi32>, vector<16xi1> -> vector<16xi32>
      %add3A_86 = vector.broadcast %scan3A_70 : i32 to vector<16xi32>
      %add3A_87 = arith.addi %add3A_86, %masked_cumsum3A : vector<16xi32>
      %sub3A = arith.subi %add3A_87, %select_n3A : vector<16xi32>
      %mul3A_88 = arith.constant 16 : i32
      %mul3A_89 = arith.muli %scan3A_69, %mul3A_88 : i32
      %add3A_90 = arith.addi %mul3A_2, %mul3A_89 : i32
      %iota3A = tpu.iota {dimensions = array<i32: 0>} : vector<16xi32>
      %add3A_91 = vector.broadcast %add3A_90 : i32 to vector<16xi32>
      %add3A_92 = arith.addi %add3A_91, %iota3A : vector<16xi32>
      %shift_right_arithmetic3A = arith.constant 4 : i32
      %shift_right_arithmetic3A_93 = vector.broadcast %shift_right_arithmetic3A : i32 to vector<16xi32>
      %shift_right_arithmetic3A_94 = arith.shrsi %sub3A, %shift_right_arithmetic3A_93 : vector<16xi32>
      %and3A = arith.constant 15 : i32
      %and3A_95 = vector.broadcast %and3A : i32 to vector<16xi32>
      %and3A_96 = arith.andi %sub3A, %and3A_95 : vector<16xi32>
      tpu.vector_store_idx %arg7[%shift_right_arithmetic3A_94, %and3A_96], %add3A_92 masked %ge3A_75 : memref<34x16xi32, #tpu.memory_space<vmem>>[vector<16xi32>, vector<16xi32>], vector<16xi32>, vector<16xi1>
      %shift_right_arithmetic3A_97 = arith.constant 4 : i32
      %shift_right_arithmetic3A_98 = vector.broadcast %shift_right_arithmetic3A_97 : i32 to vector<16xi32>
      %shift_right_arithmetic3A_99 = arith.shrsi %sub3A, %shift_right_arithmetic3A_98 : vector<16xi32>
      %and3A_100 = arith.constant 15 : i32
      %and3A_101 = vector.broadcast %and3A_100 : i32 to vector<16xi32>
      %and3A_102 = arith.andi %sub3A, %and3A_101 : vector<16xi32>
      %sub3A_103 = arith.constant 100000 : i32
      %sub3A_104 = vector.broadcast %sub3A_103 : i32 to vector<16xi32>
      %sub3A_105 = arith.subi %get3A_73, %sub3A_104 : vector<16xi32>
      tpu.vector_store_idx %arg8[%shift_right_arithmetic3A_99, %and3A_102], %sub3A_105 masked %ge3A_75 : memref<34x16xi32, #tpu.memory_space<vmem>>[vector<16xi32>, vector<16xi32>], vector<16xi32>, vector<16xi1>
      %slice3A = vector.extract_strided_slice %masked_cumsum3A {offsets = [15], sizes = [1], strides = [1]} : vector<16xi32> to vector<1xi32>
      %squeeze3A = vector.extract %slice3A[0] : i32 from vector<1xi32>
      %add3A_106 = arith.addi %scan3A_70, %squeeze3A : i32
      scf.yield %add3A_106 : i32
    }
    %scan3A_8 = arith.constant 32 : i32
    %gt3A = arith.constant 0 : i32
    %gt3A_9 = arith.cmpi sgt, %scan3A_7, %gt3A : i32
    %convert_element_type3A = arith.extui %gt3A_9 : i1 to i32
    %cond3A = arith.constant 0 : i32
    %cond3A_10 = arith.cmpi ne, %convert_element_type3A, %cond3A : i32
    scf.if %cond3A_10 {
      %get3A = arith.constant 0 : i32
      %get3A_69 = arith.index_cast %get3A : i32 to index
      %get3A_70 = arith.constant 0 : index
      %get3A_71 = tpu.vector_load %arg7[%get3A_69, %get3A_70] {strides = array<i32>} : memref<34x16xi32, #tpu.memory_space<vmem>>, vector<16xi32>,
      %slice3A = vector.extract_strided_slice %get3A_71 {offsets = [0], sizes = [1], strides = [1]} : vector<16xi32> to vector<1xi32>
      %squeeze3A = vector.extract %slice3A[0] : i32 from vector<1xi32>
      %broadcast_in_dim3A = vector.broadcast %squeeze3A : i32 to vector<16xi32>
      %get3A_72 = arith.constant 0 : i32
      %get3A_73 = arith.index_cast %get3A_72 : i32 to index
      %get3A_74 = arith.constant 0 : index
      %get3A_75 = tpu.vector_load %arg8[%get3A_73, %get3A_74] {strides = array<i32>} : memref<34x16xi32, #tpu.memory_space<vmem>>, vector<16xi32>,
      %slice3A_76 = vector.extract_strided_slice %get3A_75 {offsets = [0], sizes = [1], strides = [1]} : vector<16xi32> to vector<1xi32>
      %squeeze3A_77 = vector.extract %slice3A_76[0] : i32 from vector<1xi32>
      %broadcast_in_dim3A_78 = vector.broadcast %squeeze3A_77 : i32 to vector<16xi32>
      %iota3A = tpu.iota {dimensions = array<i32: 0>} : vector<16xi32>
      %add3A_79 = vector.broadcast %scan3A_7 : i32 to vector<16xi32>
      %add3A_80 = arith.addi %add3A_79, %iota3A : vector<16xi32>
      %ge3A = arith.constant 0 : i32
      %ge3A_81 = vector.broadcast %ge3A : i32 to vector<16xi32>
      %ge3A_82 = arith.cmpi sge, %add3A_80, %ge3A_81 : vector<16xi32>
      %shift_right_arithmetic3A = arith.constant 4 : i32
      %shift_right_arithmetic3A_83 = vector.broadcast %shift_right_arithmetic3A : i32 to vector<16xi32>
      %shift_right_arithmetic3A_84 = arith.shrsi %add3A_80, %shift_right_arithmetic3A_83 : vector<16xi32>
      %and3A = arith.constant 15 : i32
      %and3A_85 = vector.broadcast %and3A : i32 to vector<16xi32>
      %and3A_86 = arith.andi %add3A_80, %and3A_85 : vector<16xi32>
      tpu.vector_store_idx %arg7[%shift_right_arithmetic3A_84, %and3A_86], %broadcast_in_dim3A masked %ge3A_82 : memref<34x16xi32, #tpu.memory_space<vmem>>[vector<16xi32>, vector<16xi32>], vector<16xi32>, vector<16xi1>
      %shift_right_arithmetic3A_87 = arith.constant 4 : i32
      %shift_right_arithmetic3A_88 = vector.broadcast %shift_right_arithmetic3A_87 : i32 to vector<16xi32>
      %shift_right_arithmetic3A_89 = arith.shrsi %add3A_80, %shift_right_arithmetic3A_88 : vector<16xi32>
      %and3A_90 = arith.constant 15 : i32
      %and3A_91 = vector.broadcast %and3A_90 : i32 to vector<16xi32>
      %and3A_92 = arith.andi %add3A_80, %and3A_91 : vector<16xi32>
      tpu.vector_store_idx %arg8[%shift_right_arithmetic3A_89, %and3A_92], %broadcast_in_dim3A_78 masked %ge3A_82 : memref<34x16xi32, #tpu.memory_space<vmem>>[vector<16xi32>, vector<16xi32>], vector<16xi32>, vector<16xi1>
    } else {
    }
    %dma_start3A = arith.constant 0 : i32
    %dma_start3A_11 = tpu.memref_slice %arg6[%dma_start3A] : memref<512xi32, #tpu.memory_space<vmem>> -> memref<8xi32, #tpu.memory_space<vmem>>
    %dma_start3A_12 = arith.constant 0 : i32
    %dma_start3A_13 = arith.constant 0 : i32
    %dma_start3A_14 = tpu.memref_slice %arg2[%dma_start3A_12, %dma_start3A_13] : memref<100000x2048xf32, #tpu.memory_space<hbm>> -> memref<100000x2048xf32, #tpu.memory_space<hbm>>
    tpu.enqueue_indirect_dma source(%dma_start3A_14 : memref<100000x2048xf32, #tpu.memory_space<hbm>>) target(%arg9 : memref<8x2048xf32, #tpu.memory_space<vmem>>) offsets(%dma_start3A_11 : memref<8xi32, #tpu.memory_space<vmem>>) semaphore(%arg14 : memref<!tpu.dma_semaphore, #tpu.memory_space<semaphore_mem>>)
    %dma_start3A_15 = arith.constant 8 : i32
    %dma_start3A_16 = tpu.memref_slice %arg6[%dma_start3A_15] : memref<512xi32, #tpu.memory_space<vmem>> -> memref<8xi32, #tpu.memory_space<vmem>>
    %dma_start3A_17 = arith.constant 0 : i32
    %dma_start3A_18 = arith.constant 0 : i32
    %dma_start3A_19 = tpu.memref_slice %arg2[%dma_start3A_17, %dma_start3A_18] : memref<100000x2048xf32, #tpu.memory_space<hbm>> -> memref<100000x2048xf32, #tpu.memory_space<hbm>>
    tpu.enqueue_indirect_dma source(%dma_start3A_19 : memref<100000x2048xf32, #tpu.memory_space<hbm>>) target(%arg10 : memref<8x2048xf32, #tpu.memory_space<vmem>>) offsets(%dma_start3A_16 : memref<8xi32, #tpu.memory_space<vmem>>) semaphore(%arg15 : memref<!tpu.dma_semaphore, #tpu.memory_space<semaphore_mem>>)
    %dma_start3A_20 = arith.constant 16 : i32
    %dma_start3A_21 = tpu.memref_slice %arg6[%dma_start3A_20] : memref<512xi32, #tpu.memory_space<vmem>> -> memref<8xi32, #tpu.memory_space<vmem>>
    %dma_start3A_22 = arith.constant 0 : i32
    %dma_start3A_23 = arith.constant 0 : i32
    %dma_start3A_24 = tpu.memref_slice %arg2[%dma_start3A_22, %dma_start3A_23] : memref<100000x2048xf32, #tpu.memory_space<hbm>> -> memref<100000x2048xf32, #tpu.memory_space<hbm>>
    tpu.enqueue_indirect_dma source(%dma_start3A_24 : memref<100000x2048xf32, #tpu.memory_space<hbm>>) target(%arg11 : memref<8x2048xf32, #tpu.memory_space<vmem>>) offsets(%dma_start3A_21 : memref<8xi32, #tpu.memory_space<vmem>>) semaphore(%arg16 : memref<!tpu.dma_semaphore, #tpu.memory_space<semaphore_mem>>)
    %dma_start3A_25 = arith.constant 24 : i32
    %dma_start3A_26 = tpu.memref_slice %arg6[%dma_start3A_25] : memref<512xi32, #tpu.memory_space<vmem>> -> memref<8xi32, #tpu.memory_space<vmem>>
    %dma_start3A_27 = arith.constant 0 : i32
    %dma_start3A_28 = arith.constant 0 : i32
    %dma_start3A_29 = tpu.memref_slice %arg2[%dma_start3A_27, %dma_start3A_28] : memref<100000x2048xf32, #tpu.memory_space<hbm>> -> memref<100000x2048xf32, #tpu.memory_space<hbm>>
    tpu.enqueue_indirect_dma source(%dma_start3A_29 : memref<100000x2048xf32, #tpu.memory_space<hbm>>) target(%arg12 : memref<8x2048xf32, #tpu.memory_space<vmem>>) offsets(%dma_start3A_26 : memref<8xi32, #tpu.memory_space<vmem>>) semaphore(%arg17 : memref<!tpu.dma_semaphore, #tpu.memory_space<semaphore_mem>>)
    %scan3A_30 = arith.constant 0 : i32
    %scan3A_31 = arith.constant 0 : i32
    %scan3A_32 = arith.constant 16 : i32
    %scan3A_33 = arith.addi %scan3A_31, %scan3A_32 : i32
    %scan3A_34 = arith.constant 1 : i32
    scf.for %scan3A_69 = %scan3A_31 to %scan3A_33 step %scan3A_34  : i32 {
      %mul3A_70 = arith.constant 4 : i32
      %mul3A_71 = arith.muli %scan3A_69, %mul3A_70 : i32
      %add3A_72 = arith.constant 0 : i32
      %add3A_73 = arith.addi %mul3A_71, %add3A_72 : i32
      %mul3A_74 = arith.constant 8 : i32
      %mul3A_75 = arith.muli %add3A_73, %mul3A_74 : i32
      %dma_wait3A_76 = tpu.memref_slice %arg6[%mul3A_75] : memref<512xi32, #tpu.memory_space<vmem>> -> memref<8xi32, #tpu.memory_space<vmem>>
      %dma_wait3A_77 = arith.constant 0 : i32
      %dma_wait3A_78 = arith.constant 0 : i32
      %dma_wait3A_79 = tpu.memref_slice %arg2[%dma_wait3A_77, %dma_wait3A_78] : memref<100000x2048xf32, #tpu.memory_space<hbm>> -> memref<100000x2048xf32, #tpu.memory_space<hbm>>
      tpu.wait_indirect_dma semaphore(%arg14 : memref<!tpu.dma_semaphore, #tpu.memory_space<semaphore_mem>>) src(%dma_wait3A_79 : memref<100000x2048xf32, #tpu.memory_space<hbm>>) dst(%arg9 : memref<8x2048xf32, #tpu.memory_space<vmem>>)
      %mul3A_80 = arith.constant 8 : i32
      %mul3A_81 = arith.muli %add3A_73, %mul3A_80 : i32
      %add3A_82 = arith.addi %mul3A_2, %mul3A_81 : i32
      %dma_start3A_83 = arith.constant 0 : i32
      %dma_start3A_84 = tpu.memref_slice %arg5[%add3A_82, %dma_start3A_83] : memref<16384x2048xf32, #tpu.memory_space<hbm>> -> memref<8x2048xf32, #tpu.memory_space<hbm>>
      %dma_start3A_85 = arith.constant 0 : i32
      %dma_start3A_86 = tpu.memref_slice %arg5[%add3A_82, %dma_start3A_85] : memref<16384x2048xf32, #tpu.memory_space<hbm>> -> memref<8x2048xf32, #tpu.memory_space<hbm>>
      tpu.enqueue_dma source(%arg9 : memref<8x2048xf32, #tpu.memory_space<vmem>>) target(%dma_start3A_86 : memref<8x2048xf32, #tpu.memory_space<hbm>>) target_semaphore(%arg18 : memref<!tpu.dma_semaphore, #tpu.memory_space<semaphore_mem>>)
      %ge3A = arith.constant 1 : i32
      %ge3A_87 = arith.cmpi sge, %add3A_73, %ge3A : i32
      %sub3A = arith.constant 1 : i32
      %sub3A_88 = arith.subi %add3A_73, %sub3A : i32
      %add3A_89 = arith.constant 4 : i32
      %add3A_90 = arith.addi %sub3A_88, %add3A_89 : i32
      %lt3A = arith.constant 64 : i32
      %lt3A_91 = arith.cmpi slt, %add3A_90, %lt3A : i32
      %and3A = arith.andi %ge3A_87, %lt3A_91 : i1
      %convert_element_type3A_92 = arith.extui %and3A : i1 to i32
      %cond3A_93 = arith.constant 0 : i32
      %cond3A_94 = arith.cmpi ne, %convert_element_type3A_92, %cond3A_93 : i32
      scf.if %cond3A_94 {
        %sub3A_182 = arith.constant 1 : i32
        %sub3A_183 = arith.subi %add3A_73, %sub3A_182 : i32
        %mul3A_184 = arith.constant 8 : i32
        %mul3A_185 = arith.muli %sub3A_183, %mul3A_184 : i32
        %add3A_186 = arith.addi %mul3A_2, %mul3A_185 : i32
        %dma_wait3A_187 = arith.constant 0 : i32
        %dma_wait3A_188 = tpu.memref_slice %arg5[%add3A_186, %dma_wait3A_187] : memref<16384x2048xf32, #tpu.memory_space<hbm>> -> memref<8x2048xf32, #tpu.memory_space<hbm>>
        %dma_wait3A_189 = arith.constant 0 : i32
        %dma_wait3A_190 = tpu.memref_slice %arg5[%add3A_186, %dma_wait3A_189] : memref<16384x2048xf32, #tpu.memory_space<hbm>> -> memref<8x2048xf32, #tpu.memory_space<hbm>>
        tpu.wait_dma2 semaphore(%arg21 : memref<!tpu.dma_semaphore, #tpu.memory_space<semaphore_mem>>) src(%arg12 : memref<8x2048xf32, #tpu.memory_space<vmem>>) dst(%dma_wait3A_190 : memref<8x2048xf32, #tpu.memory_space<hbm>>)
        %add3A_191 = arith.constant 4 : i32
        %add3A_192 = arith.addi %sub3A_183, %add3A_191 : i32
        %mul3A_193 = arith.constant 8 : i32
        %mul3A_194 = arith.muli %add3A_192, %mul3A_193 : i32
        %dma_start3A_195 = tpu.memref_slice %arg6[%mul3A_194] : memref<512xi32, #tpu.memory_space<vmem>> -> memref<8xi32, #tpu.memory_space<vmem>>
        %dma_start3A_196 = arith.constant 0 : i32
        %dma_start3A_197 = arith.constant 0 : i32
        %dma_start3A_198 = tpu.memref_slice %arg2[%dma_start3A_196, %dma_start3A_197] : memref<100000x2048xf32, #tpu.memory_space<hbm>> -> memref<100000x2048xf32, #tpu.memory_space<hbm>>
        tpu.enqueue_indirect_dma source(%dma_start3A_198 : memref<100000x2048xf32, #tpu.memory_space<hbm>>) target(%arg12 : memref<8x2048xf32, #tpu.memory_space<vmem>>) offsets(%dma_start3A_195 : memref<8xi32, #tpu.memory_space<vmem>>) semaphore(%arg17 : memref<!tpu.dma_semaphore, #tpu.memory_space<semaphore_mem>>)
      } else {
      }
      %mul3A_95 = arith.constant 4 : i32
      %mul3A_96 = arith.muli %scan3A_69, %mul3A_95 : i32
      %add3A_97 = arith.constant 1 : i32
      %add3A_98 = arith.addi %mul3A_96, %add3A_97 : i32
      %mul3A_99 = arith.constant 8 : i32
      %mul3A_100 = arith.muli %add3A_98, %mul3A_99 : i32
      %dma_wait3A_101 = tpu.memref_slice %arg6[%mul3A_100] : memref<512xi32, #tpu.memory_space<vmem>> -> memref<8xi32, #tpu.memory_space<vmem>>
      %dma_wait3A_102 = arith.constant 0 : i32
      %dma_wait3A_103 = arith.constant 0 : i32
      %dma_wait3A_104 = tpu.memref_slice %arg2[%dma_wait3A_102, %dma_wait3A_103] : memref<100000x2048xf32, #tpu.memory_space<hbm>> -> memref<100000x2048xf32, #tpu.memory_space<hbm>>
      tpu.wait_indirect_dma semaphore(%arg15 : memref<!tpu.dma_semaphore, #tpu.memory_space<semaphore_mem>>) src(%dma_wait3A_104 : memref<100000x2048xf32, #tpu.memory_space<hbm>>) dst(%arg10 : memref<8x2048xf32, #tpu.memory_space<vmem>>)
      %mul3A_105 = arith.constant 8 : i32
      %mul3A_106 = arith.muli %add3A_98, %mul3A_105 : i32
      %add3A_107 = arith.addi %mul3A_2, %mul3A_106 : i32
      %dma_start3A_108 = arith.constant 0 : i32
      %dma_start3A_109 = tpu.memref_slice %arg5[%add3A_107, %dma_start3A_108] : memref<16384x2048xf32, #tpu.memory_space<hbm>> -> memref<8x2048xf32, #tpu.memory_space<hbm>>
      %dma_start3A_110 = arith.constant 0 : i32
      %dma_start3A_111 = tpu.memref_slice %arg5[%add3A_107, %dma_start3A_110] : memref<16384x2048xf32, #tpu.memory_space<hbm>> -> memref<8x2048xf32, #tpu.memory_space<hbm>>
      tpu.enqueue_dma source(%arg10 : memref<8x2048xf32, #tpu.memory_space<vmem>>) target(%dma_start3A_111 : memref<8x2048xf32, #tpu.memory_space<hbm>>) target_semaphore(%arg19 : memref<!tpu.dma_semaphore, #tpu.memory_space<semaphore_mem>>)
      %ge3A_112 = arith.constant 1 : i32
      %ge3A_113 = arith.cmpi sge, %add3A_98, %ge3A_112 : i32
      %sub3A_114 = arith.constant 1 : i32
      %sub3A_115 = arith.subi %add3A_98, %sub3A_114 : i32
      %add3A_116 = arith.constant 4 : i32
      %add3A_117 = arith.addi %sub3A_115, %add3A_116 : i32
      %lt3A_118 = arith.constant 64 : i32
      %lt3A_119 = arith.cmpi slt, %add3A_117, %lt3A_118 : i32
      %and3A_120 = arith.andi %ge3A_113, %lt3A_119 : i1
      %convert_element_type3A_121 = arith.extui %and3A_120 : i1 to i32
      %cond3A_122 = arith.constant 0 : i32
      %cond3A_123 = arith.cmpi ne, %convert_element_type3A_121, %cond3A_122 : i32
      scf.if %cond3A_123 {
        %sub3A_182 = arith.constant 1 : i32
        %sub3A_183 = arith.subi %add3A_98, %sub3A_182 : i32
        %mul3A_184 = arith.constant 8 : i32
        %mul3A_185 = arith.muli %sub3A_183, %mul3A_184 : i32
        %add3A_186 = arith.addi %mul3A_2, %mul3A_185 : i32
        %dma_wait3A_187 = arith.constant 0 : i32
        %dma_wait3A_188 = tpu.memref_slice %arg5[%add3A_186, %dma_wait3A_187] : memref<16384x2048xf32, #tpu.memory_space<hbm>> -> memref<8x2048xf32, #tpu.memory_space<hbm>>
        %dma_wait3A_189 = arith.constant 0 : i32
        %dma_wait3A_190 = tpu.memref_slice %arg5[%add3A_186, %dma_wait3A_189] : memref<16384x2048xf32, #tpu.memory_space<hbm>> -> memref<8x2048xf32, #tpu.memory_space<hbm>>
        tpu.wait_dma2 semaphore(%arg18 : memref<!tpu.dma_semaphore, #tpu.memory_space<semaphore_mem>>) src(%arg9 : memref<8x2048xf32, #tpu.memory_space<vmem>>) dst(%dma_wait3A_190 : memref<8x2048xf32, #tpu.memory_space<hbm>>)
        %add3A_191 = arith.constant 4 : i32
        %add3A_192 = arith.addi %sub3A_183, %add3A_191 : i32
        %mul3A_193 = arith.constant 8 : i32
        %mul3A_194 = arith.muli %add3A_192, %mul3A_193 : i32
        %dma_start3A_195 = tpu.memref_slice %arg6[%mul3A_194] : memref<512xi32, #tpu.memory_space<vmem>> -> memref<8xi32, #tpu.memory_space<vmem>>
        %dma_start3A_196 = arith.constant 0 : i32
        %dma_start3A_197 = arith.constant 0 : i32
        %dma_start3A_198 = tpu.memref_slice %arg2[%dma_start3A_196, %dma_start3A_197] : memref<100000x2048xf32, #tpu.memory_space<hbm>> -> memref<100000x2048xf32, #tpu.memory_space<hbm>>
        tpu.enqueue_indirect_dma source(%dma_start3A_198 : memref<100000x2048xf32, #tpu.memory_space<hbm>>) target(%arg9 : memref<8x2048xf32, #tpu.memory_space<vmem>>) offsets(%dma_start3A_195 : memref<8xi32, #tpu.memory_space<vmem>>) semaphore(%arg14 : memref<!tpu.dma_semaphore, #tpu.memory_space<semaphore_mem>>)
      } else {
      }
      %mul3A_124 = arith.constant 4 : i32
      %mul3A_125 = arith.muli %scan3A_69, %mul3A_124 : i32
      %add3A_126 = arith.constant 2 : i32
      %add3A_127 = arith.addi %mul3A_125, %add3A_126 : i32
      %mul3A_128 = arith.constant 8 : i32
      %mul3A_129 = arith.muli %add3A_127, %mul3A_128 : i32
      %dma_wait3A_130 = tpu.memref_slice %arg6[%mul3A_129] : memref<512xi32, #tpu.memory_space<vmem>> -> memref<8xi32, #tpu.memory_space<vmem>>
      %dma_wait3A_131 = arith.constant 0 : i32
      %dma_wait3A_132 = arith.constant 0 : i32
      %dma_wait3A_133 = tpu.memref_slice %arg2[%dma_wait3A_131, %dma_wait3A_132] : memref<100000x2048xf32, #tpu.memory_space<hbm>> -> memref<100000x2048xf32, #tpu.memory_space<hbm>>
      tpu.wait_indirect_dma semaphore(%arg16 : memref<!tpu.dma_semaphore, #tpu.memory_space<semaphore_mem>>) src(%dma_wait3A_133 : memref<100000x2048xf32, #tpu.memory_space<hbm>>) dst(%arg11 : memref<8x2048xf32, #tpu.memory_space<vmem>>)
      %mul3A_134 = arith.constant 8 : i32
      %mul3A_135 = arith.muli %add3A_127, %mul3A_134 : i32
      %add3A_136 = arith.addi %mul3A_2, %mul3A_135 : i32
      %dma_start3A_137 = arith.constant 0 : i32
      %dma_start3A_138 = tpu.memref_slice %arg5[%add3A_136, %dma_start3A_137] : memref<16384x2048xf32, #tpu.memory_space<hbm>> -> memref<8x2048xf32, #tpu.memory_space<hbm>>
      %dma_start3A_139 = arith.constant 0 : i32
      %dma_start3A_140 = tpu.memref_slice %arg5[%add3A_136, %dma_start3A_139] : memref<16384x2048xf32, #tpu.memory_space<hbm>> -> memref<8x2048xf32, #tpu.memory_space<hbm>>
      tpu.enqueue_dma source(%arg11 : memref<8x2048xf32, #tpu.memory_space<vmem>>) target(%dma_start3A_140 : memref<8x2048xf32, #tpu.memory_space<hbm>>) target_semaphore(%arg20 : memref<!tpu.dma_semaphore, #tpu.memory_space<semaphore_mem>>)
      %ge3A_141 = arith.constant 1 : i32
      %ge3A_142 = arith.cmpi sge, %add3A_127, %ge3A_141 : i32
      %sub3A_143 = arith.constant 1 : i32
      %sub3A_144 = arith.subi %add3A_127, %sub3A_143 : i32
      %add3A_145 = arith.constant 4 : i32
      %add3A_146 = arith.addi %sub3A_144, %add3A_145 : i32
      %lt3A_147 = arith.constant 64 : i32
      %lt3A_148 = arith.cmpi slt, %add3A_146, %lt3A_147 : i32
      %and3A_149 = arith.andi %ge3A_142, %lt3A_148 : i1
      %convert_element_type3A_150 = arith.extui %and3A_149 : i1 to i32
      %cond3A_151 = arith.constant 0 : i32
      %cond3A_152 = arith.cmpi ne, %convert_element_type3A_150, %cond3A_151 : i32
      scf.if %cond3A_152 {
        %sub3A_182 = arith.constant 1 : i32
        %sub3A_183 = arith.subi %add3A_127, %sub3A_182 : i32
        %mul3A_184 = arith.constant 8 : i32
        %mul3A_185 = arith.muli %sub3A_183, %mul3A_184 : i32
        %add3A_186 = arith.addi %mul3A_2, %mul3A_185 : i32
        %dma_wait3A_187 = arith.constant 0 : i32
        %dma_wait3A_188 = tpu.memref_slice %arg5[%add3A_186, %dma_wait3A_187] : memref<16384x2048xf32, #tpu.memory_space<hbm>> -> memref<8x2048xf32, #tpu.memory_space<hbm>>
        %dma_wait3A_189 = arith.constant 0 : i32
        %dma_wait3A_190 = tpu.memref_slice %arg5[%add3A_186, %dma_wait3A_189] : memref<16384x2048xf32, #tpu.memory_space<hbm>> -> memref<8x2048xf32, #tpu.memory_space<hbm>>
        tpu.wait_dma2 semaphore(%arg19 : memref<!tpu.dma_semaphore, #tpu.memory_space<semaphore_mem>>) src(%arg10 : memref<8x2048xf32, #tpu.memory_space<vmem>>) dst(%dma_wait3A_190 : memref<8x2048xf32, #tpu.memory_space<hbm>>)
        %add3A_191 = arith.constant 4 : i32
        %add3A_192 = arith.addi %sub3A_183, %add3A_191 : i32
        %mul3A_193 = arith.constant 8 : i32
        %mul3A_194 = arith.muli %add3A_192, %mul3A_193 : i32
        %dma_start3A_195 = tpu.memref_slice %arg6[%mul3A_194] : memref<512xi32, #tpu.memory_space<vmem>> -> memref<8xi32, #tpu.memory_space<vmem>>
        %dma_start3A_196 = arith.constant 0 : i32
        %dma_start3A_197 = arith.constant 0 : i32
        %dma_start3A_198 = tpu.memref_slice %arg2[%dma_start3A_196, %dma_start3A_197] : memref<100000x2048xf32, #tpu.memory_space<hbm>> -> memref<100000x2048xf32, #tpu.memory_space<hbm>>
        tpu.enqueue_indirect_dma source(%dma_start3A_198 : memref<100000x2048xf32, #tpu.memory_space<hbm>>) target(%arg10 : memref<8x2048xf32, #tpu.memory_space<vmem>>) offsets(%dma_start3A_195 : memref<8xi32, #tpu.memory_space<vmem>>) semaphore(%arg15 : memref<!tpu.dma_semaphore, #tpu.memory_space<semaphore_mem>>)
      } else {
      }
      %mul3A_153 = arith.constant 4 : i32
      %mul3A_154 = arith.muli %scan3A_69, %mul3A_153 : i32
      %add3A_155 = arith.constant 3 : i32
      %add3A_156 = arith.addi %mul3A_154, %add3A_155 : i32
      %mul3A_157 = arith.constant 8 : i32
      %mul3A_158 = arith.muli %add3A_156, %mul3A_157 : i32
      %dma_wait3A_159 = tpu.memref_slice %arg6[%mul3A_158] : memref<512xi32, #tpu.memory_space<vmem>> -> memref<8xi32, #tpu.memory_space<vmem>>
      %dma_wait3A_160 = arith.constant 0 : i32
      %dma_wait3A_161 = arith.constant 0 : i32
      %dma_wait3A_162 = tpu.memref_slice %arg2[%dma_wait3A_160, %dma_wait3A_161] : memref<100000x2048xf32, #tpu.memory_space<hbm>> -> memref<100000x2048xf32, #tpu.memory_space<hbm>>
      tpu.wait_indirect_dma semaphore(%arg17 : memref<!tpu.dma_semaphore, #tpu.memory_space<semaphore_mem>>) src(%dma_wait3A_162 : memref<100000x2048xf32, #tpu.memory_space<hbm>>) dst(%arg12 : memref<8x2048xf32, #tpu.memory_space<vmem>>)
      %mul3A_163 = arith.constant 8 : i32
      %mul3A_164 = arith.muli %add3A_156, %mul3A_163 : i32
      %add3A_165 = arith.addi %mul3A_2, %mul3A_164 : i32
      %dma_start3A_166 = arith.constant 0 : i32
      %dma_start3A_167 = tpu.memref_slice %arg5[%add3A_165, %dma_start3A_166] : memref<16384x2048xf32, #tpu.memory_space<hbm>> -> memref<8x2048xf32, #tpu.memory_space<hbm>>
      %dma_start3A_168 = arith.constant 0 : i32
      %dma_start3A_169 = tpu.memref_slice %arg5[%add3A_165, %dma_start3A_168] : memref<16384x2048xf32, #tpu.memory_space<hbm>> -> memref<8x2048xf32, #tpu.memory_space<hbm>>
      tpu.enqueue_dma source(%arg12 : memref<8x2048xf32, #tpu.memory_space<vmem>>) target(%dma_start3A_169 : memref<8x2048xf32, #tpu.memory_space<hbm>>) target_semaphore(%arg21 : memref<!tpu.dma_semaphore, #tpu.memory_space<semaphore_mem>>)
      %ge3A_170 = arith.constant 1 : i32
      %ge3A_171 = arith.cmpi sge, %add3A_156, %ge3A_170 : i32
      %sub3A_172 = arith.constant 1 : i32
      %sub3A_173 = arith.subi %add3A_156, %sub3A_172 : i32
      %add3A_174 = arith.constant 4 : i32
      %add3A_175 = arith.addi %sub3A_173, %add3A_174 : i32
      %lt3A_176 = arith.constant 64 : i32
      %lt3A_177 = arith.cmpi slt, %add3A_175, %lt3A_176 : i32
      %and3A_178 = arith.andi %ge3A_171, %lt3A_177 : i1
      %convert_element_type3A_179 = arith.extui %and3A_178 : i1 to i32
      %cond3A_180 = arith.constant 0 : i32
      %cond3A_181 = arith.cmpi ne, %convert_element_type3A_179, %cond3A_180 : i32
      scf.if %cond3A_181 {
        %sub3A_182 = arith.constant 1 : i32
        %sub3A_183 = arith.subi %add3A_156, %sub3A_182 : i32
        %mul3A_184 = arith.constant 8 : i32
        %mul3A_185 = arith.muli %sub3A_183, %mul3A_184 : i32
        %add3A_186 = arith.addi %mul3A_2, %mul3A_185 : i32
        %dma_wait3A_187 = arith.constant 0 : i32
        %dma_wait3A_188 = tpu.memref_slice %arg5[%add3A_186, %dma_wait3A_187] : memref<16384x2048xf32, #tpu.memory_space<hbm>> -> memref<8x2048xf32, #tpu.memory_space<hbm>>
        %dma_wait3A_189 = arith.constant 0 : i32
        %dma_wait3A_190 = tpu.memref_slice %arg5[%add3A_186, %dma_wait3A_189] : memref<16384x2048xf32, #tpu.memory_space<hbm>> -> memref<8x2048xf32, #tpu.memory_space<hbm>>
        tpu.wait_dma2 semaphore(%arg20 : memref<!tpu.dma_semaphore, #tpu.memory_space<semaphore_mem>>) src(%arg11 : memref<8x2048xf32, #tpu.memory_space<vmem>>) dst(%dma_wait3A_190 : memref<8x2048xf32, #tpu.memory_space<hbm>>)
        %add3A_191 = arith.constant 4 : i32
        %add3A_192 = arith.addi %sub3A_183, %add3A_191 : i32
        %mul3A_193 = arith.constant 8 : i32
        %mul3A_194 = arith.muli %add3A_192, %mul3A_193 : i32
        %dma_start3A_195 = tpu.memref_slice %arg6[%mul3A_194] : memref<512xi32, #tpu.memory_space<vmem>> -> memref<8xi32, #tpu.memory_space<vmem>>
        %dma_start3A_196 = arith.constant 0 : i32
        %dma_start3A_197 = arith.constant 0 : i32
        %dma_start3A_198 = tpu.memref_slice %arg2[%dma_start3A_196, %dma_start3A_197] : memref<100000x2048xf32, #tpu.memory_space<hbm>> -> memref<100000x2048xf32, #tpu.memory_space<hbm>>
        tpu.enqueue_indirect_dma source(%dma_start3A_198 : memref<100000x2048xf32, #tpu.memory_space<hbm>>) target(%arg11 : memref<8x2048xf32, #tpu.memory_space<vmem>>) offsets(%dma_start3A_195 : memref<8xi32, #tpu.memory_space<vmem>>) semaphore(%arg16 : memref<!tpu.dma_semaphore, #tpu.memory_space<semaphore_mem>>)
      } else {
      }
    }
    %scan3A_35 = arith.constant 16 : i32
    %gt3A_36 = arith.constant 0 : i32
    %gt3A_37 = arith.cmpi sgt, %scan3A_7, %gt3A_36 : i32
    %convert_element_type3A_38 = arith.extui %gt3A_37 : i1 to i32
    %cond3A_39 = arith.constant 0 : i32
    %cond3A_40 = arith.cmpi ne, %convert_element_type3A_38, %cond3A_39 : i32
    scf.if %cond3A_40 {
      %dma_start3A_69 = arith.constant 0 : i32
      %dma_start3A_70 = arith.constant 0 : i32
      %dma_start3A_71 = tpu.memref_slice %arg8[%dma_start3A_69, %dma_start3A_70] : memref<34x16xi32, #tpu.memory_space<vmem>> -> memref<1x16xi32, #tpu.memory_space<vmem>>
      %dma_start3A_72 = tpu.memref_squeeze %dma_start3A_71 : memref<1x16xi32, #tpu.memory_space<vmem>> -> memref<16xi32, #tpu.memory_space<vmem>>
      %dma_start3A_73 = arith.constant 0 : i32
      %dma_start3A_74 = arith.constant 0 : i32
      %dma_start3A_75 = tpu.memref_slice %arg3[%dma_start3A_73, %dma_start3A_74] : memref<128x2048xf32, #tpu.memory_space<hbm>> -> memref<128x2048xf32, #tpu.memory_space<hbm>>
      tpu.enqueue_indirect_dma source(%dma_start3A_75 : memref<128x2048xf32, #tpu.memory_space<hbm>>) target(%arg13 : memref<16x2048xf32, #tpu.memory_space<vmem>>) offsets(%dma_start3A_72 : memref<16xi32, #tpu.memory_space<vmem>>) semaphore(%arg22 : memref<!tpu.dma_semaphore, #tpu.memory_space<semaphore_mem>>)
    } else {
    }
    %add3A_41 = arith.constant 480 : i32
    %add3A_42 = arith.addi %mul3A_2, %add3A_41 : i32
    %dma_wait3A = arith.constant 0 : i32
    %dma_wait3A_43 = tpu.memref_slice %arg5[%add3A_42, %dma_wait3A] : memref<16384x2048xf32, #tpu.memory_space<hbm>> -> memref<8x2048xf32, #tpu.memory_space<hbm>>
    %dma_wait3A_44 = arith.constant 0 : i32
    %dma_wait3A_45 = tpu.memref_slice %arg5[%add3A_42, %dma_wait3A_44] : memref<16384x2048xf32, #tpu.memory_space<hbm>> -> memref<8x2048xf32, #tpu.memory_space<hbm>>
    tpu.wait_dma2 semaphore(%arg18 : memref<!tpu.dma_semaphore, #tpu.memory_space<semaphore_mem>>) src(%arg9 : memref<8x2048xf32, #tpu.memory_space<vmem>>) dst(%dma_wait3A_45 : memref<8x2048xf32, #tpu.memory_space<hbm>>)
    %add3A_46 = arith.constant 488 : i32
    %add3A_47 = arith.addi %mul3A_2, %add3A_46 : i32
    %dma_wait3A_48 = arith.constant 0 : i32
    %dma_wait3A_49 = tpu.memref_slice %arg5[%add3A_47, %dma_wait3A_48] : memref<16384x2048xf32, #tpu.memory_space<hbm>> -> memref<8x2048xf32, #tpu.memory_space<hbm>>
    %dma_wait3A_50 = arith.constant 0 : i32
    %dma_wait3A_51 = tpu.memref_slice %arg5[%add3A_47, %dma_wait3A_50] : memref<16384x2048xf32, #tpu.memory_space<hbm>> -> memref<8x2048xf32, #tpu.memory_space<hbm>>
    tpu.wait_dma2 semaphore(%arg19 : memref<!tpu.dma_semaphore, #tpu.memory_space<semaphore_mem>>) src(%arg10 : memref<8x2048xf32, #tpu.memory_space<vmem>>) dst(%dma_wait3A_51 : memref<8x2048xf32, #tpu.memory_space<hbm>>)
    %add3A_52 = arith.constant 496 : i32
    %add3A_53 = arith.addi %mul3A_2, %add3A_52 : i32
    %dma_wait3A_54 = arith.constant 0 : i32
    %dma_wait3A_55 = tpu.memref_slice %arg5[%add3A_53, %dma_wait3A_54] : memref<16384x2048xf32, #tpu.memory_space<hbm>> -> memref<8x2048xf32, #tpu.memory_space<hbm>>
    %dma_wait3A_56 = arith.constant 0 : i32
    %dma_wait3A_57 = tpu.memref_slice %arg5[%add3A_53, %dma_wait3A_56] : memref<16384x2048xf32, #tpu.memory_space<hbm>> -> memref<8x2048xf32, #tpu.memory_space<hbm>>
    tpu.wait_dma2 semaphore(%arg20 : memref<!tpu.dma_semaphore, #tpu.memory_space<semaphore_mem>>) src(%arg11 : memref<8x2048xf32, #tpu.memory_space<vmem>>) dst(%dma_wait3A_57 : memref<8x2048xf32, #tpu.memory_space<hbm>>)
    %add3A_58 = arith.constant 504 : i32
    %add3A_59 = arith.addi %mul3A_2, %add3A_58 : i32
    %dma_wait3A_60 = arith.constant 0 : i32
    %dma_wait3A_61 = tpu.memref_slice %arg5[%add3A_59, %dma_wait3A_60] : memref<16384x2048xf32, #tpu.memory_space<hbm>> -> memref<8x2048xf32, #tpu.memory_space<hbm>>
    %dma_wait3A_62 = arith.constant 0 : i32
    %dma_wait3A_63 = tpu.memref_slice %arg5[%add3A_59, %dma_wait3A_62] : memref<16384x2048xf32, #tpu.memory_space<hbm>> -> memref<8x2048xf32, #tpu.memory_space<hbm>>
    tpu.wait_dma2 semaphore(%arg21 : memref<!tpu.dma_semaphore, #tpu.memory_space<semaphore_mem>>) src(%arg12 : memref<8x2048xf32, #tpu.memory_space<vmem>>) dst(%dma_wait3A_63 : memref<8x2048xf32, #tpu.memory_space<hbm>>)
    %gt3A_64 = arith.constant 0 : i32
    %gt3A_65 = arith.cmpi sgt, %scan3A_7, %gt3A_64 : i32
    %convert_element_type3A_66 = arith.extui %gt3A_65 : i1 to i32
    %cond3A_67 = arith.constant 0 : i32
    %cond3A_68 = arith.cmpi ne, %convert_element_type3A_66, %cond3A_67 : i32
    scf.if %cond3A_68 {
      %add3A_69 = arith.constant 16 : i32
      %add3A_70 = arith.addi %scan3A_7, %add3A_69 : i32
      %sub3A = arith.constant 1 : i32
      %sub3A_71 = arith.subi %add3A_70, %sub3A : i32
      %jit3A = arith.constant 16 : i32
      %div3A = arith.divsi %sub3A_71, %jit3A : i32
      %sign3A = arith.constant 0 : i32
      %sign3A_72 = arith.cmpi sgt, %sub3A_71, %sign3A : i32
      %sign3A_73 = arith.extui %sign3A_72 : i1 to i32
      %sign3A_74 = arith.constant 0 : i32
      %sign3A_75 = arith.cmpi slt, %sub3A_71, %sign3A_74 : i32
      %sign3A_76 = arith.extui %sign3A_75 : i1 to i32
      %sign3A_77 = arith.subi %sign3A_73, %sign3A_76 : i32
      %sign3A_78 = arith.constant 0 : i32
      %sign3A_79 = arith.cmpi sgt, %jit3A, %sign3A_78 : i32
      %sign3A_80 = arith.extui %sign3A_79 : i1 to i32
      %sign3A_81 = arith.constant 0 : i32
      %sign3A_82 = arith.cmpi slt, %jit3A, %sign3A_81 : i32
      %sign3A_83 = arith.extui %sign3A_82 : i1 to i32
      %sign3A_84 = arith.subi %sign3A_80, %sign3A_83 : i32
      %ne3A = arith.cmpi ne, %sign3A_77, %sign3A_84 : i32
      %rem3A = arith.remsi %sub3A_71, %jit3A : i32
      %ne3A_85 = arith.constant 0 : i32
      %ne3A_86 = arith.cmpi ne, %rem3A, %ne3A_85 : i32
      %and3A = arith.andi %ne3A, %ne3A_86 : i1
      %sub3A_87 = arith.constant 1 : i32
      %sub3A_88 = arith.subi %div3A, %sub3A_87 : i32
      %select_n3A = arith.select %and3A, %sub3A_88, %div3A : i32
      %while3A = arith.constant 0 : i32
      %while3A_89 = arith.constant 0 : i32
      %while3A_90 = arith.subi %select_n3A, %while3A_89 : i32
      %while3A_91 = arith.addi %while3A_89, %while3A_90 : i32
      %while3A_92 = arith.constant 1 : i32
      %while3A_93 = arith.divsi %while3A_90, %while3A_92 : i32
      %while3A_94 = arith.muli %while3A_93, %while3A_92 : i32
      %while3A_95 = arith.addi %while3A_89, %while3A_94 : i32
      %while3A_96 = arith.constant 1 : i32
      scf.for %while3A_98 = %while3A_89 to %while3A_95 step %while3A_96  : i32 {
        %dma_wait3A_99 = arith.constant 0 : i32
        %dma_wait3A_100 = tpu.memref_slice %arg8[%while3A_98, %dma_wait3A_99] : memref<34x16xi32, #tpu.memory_space<vmem>> -> memref<1x16xi32, #tpu.memory_space<vmem>>
        %dma_wait3A_101 = tpu.memref_squeeze %dma_wait3A_100 : memref<1x16xi32, #tpu.memory_space<vmem>> -> memref<16xi32, #tpu.memory_space<vmem>>
        %dma_wait3A_102 = arith.constant 0 : i32
        %dma_wait3A_103 = arith.constant 0 : i32
        %dma_wait3A_104 = tpu.memref_slice %arg3[%dma_wait3A_102, %dma_wait3A_103] : memref<128x2048xf32, #tpu.memory_space<hbm>> -> memref<128x2048xf32, #tpu.memory_space<hbm>>
        tpu.wait_indirect_dma semaphore(%arg22 : memref<!tpu.dma_semaphore, #tpu.memory_space<semaphore_mem>>) src(%dma_wait3A_104 : memref<128x2048xf32, #tpu.memory_space<hbm>>) dst(%arg13 : memref<16x2048xf32, #tpu.memory_space<vmem>>)
        %dma_start3A_105 = arith.constant 0 : i32
        %dma_start3A_106 = tpu.memref_slice %arg7[%while3A_98, %dma_start3A_105] : memref<34x16xi32, #tpu.memory_space<vmem>> -> memref<1x16xi32, #tpu.memory_space<vmem>>
        %dma_start3A_107 = tpu.memref_squeeze %dma_start3A_106 : memref<1x16xi32, #tpu.memory_space<vmem>> -> memref<16xi32, #tpu.memory_space<vmem>>
        %dma_start3A_108 = arith.constant 0 : i32
        %dma_start3A_109 = arith.constant 0 : i32
        %dma_start3A_110 = tpu.memref_slice %arg5[%dma_start3A_108, %dma_start3A_109] : memref<16384x2048xf32, #tpu.memory_space<hbm>> -> memref<16384x2048xf32, #tpu.memory_space<hbm>>
        tpu.enqueue_indirect_dma source(%arg13 : memref<16x2048xf32, #tpu.memory_space<vmem>>) target(%dma_start3A_110 : memref<16384x2048xf32, #tpu.memory_space<hbm>>) offsets(%dma_start3A_107 : memref<16xi32, #tpu.memory_space<vmem>>) semaphore(%arg14 : memref<!tpu.dma_semaphore, #tpu.memory_space<semaphore_mem>>)
        %dma_wait3A_111 = arith.constant 0 : i32
        %dma_wait3A_112 = tpu.memref_slice %arg7[%while3A_98, %dma_wait3A_111] : memref<34x16xi32, #tpu.memory_space<vmem>> -> memref<1x16xi32, #tpu.memory_space<vmem>>
        %dma_wait3A_113 = tpu.memref_squeeze %dma_wait3A_112 : memref<1x16xi32, #tpu.memory_space<vmem>> -> memref<16xi32, #tpu.memory_space<vmem>>
        %dma_wait3A_114 = arith.constant 0 : i32
        %dma_wait3A_115 = arith.constant 0 : i32
        %dma_wait3A_116 = tpu.memref_slice %arg5[%dma_wait3A_114, %dma_wait3A_115] : memref<16384x2048xf32, #tpu.memory_space<hbm>> -> memref<16384x2048xf32, #tpu.memory_space<hbm>>
        tpu.wait_indirect_dma semaphore(%arg14 : memref<!tpu.dma_semaphore, #tpu.memory_space<semaphore_mem>>) src(%arg13 : memref<16x2048xf32, #tpu.memory_space<vmem>>) dst(%dma_wait3A_116 : memref<16384x2048xf32, #tpu.memory_space<hbm>>)
        %add3A_117 = arith.constant 1 : i32
        %add3A_118 = arith.addi %while3A_98, %add3A_117 : i32
        %lt3A = arith.cmpi slt, %add3A_118, %select_n3A : i32
        %convert_element_type3A_119 = arith.extui %lt3A : i1 to i32
        %cond3A_120 = arith.constant 0 : i32
        %cond3A_121 = arith.cmpi ne, %convert_element_type3A_119, %cond3A_120 : i32
        scf.if %cond3A_121 {
          %add3A_122 = arith.constant 1 : i32
          %add3A_123 = arith.addi %while3A_98, %add3A_122 : i32
          %dma_start3A_124 = arith.constant 0 : i32
          %dma_start3A_125 = tpu.memref_slice %arg8[%add3A_123, %dma_start3A_124] : memref<34x16xi32, #tpu.memory_space<vmem>> -> memref<1x16xi32, #tpu.memory_space<vmem>>
          %dma_start3A_126 = tpu.memref_squeeze %dma_start3A_125 : memref<1x16xi32, #tpu.memory_space<vmem>> -> memref<16xi32, #tpu.memory_space<vmem>>
          %dma_start3A_127 = arith.constant 0 : i32
          %dma_start3A_128 = arith.constant 0 : i32
          %dma_start3A_129 = tpu.memref_slice %arg3[%dma_start3A_127, %dma_start3A_128] : memref<128x2048xf32, #tpu.memory_space<hbm>> -> memref<128x2048xf32, #tpu.memory_space<hbm>>
          tpu.enqueue_indirect_dma source(%dma_start3A_129 : memref<128x2048xf32, #tpu.memory_space<hbm>>) target(%arg13 : memref<16x2048xf32, #tpu.memory_space<vmem>>) offsets(%dma_start3A_126 : memref<16xi32, #tpu.memory_space<vmem>>) semaphore(%arg22 : memref<!tpu.dma_semaphore, #tpu.memory_space<semaphore_mem>>)
        } else {
        }
      }
      %while3A_97 = arith.constant 1 : i32
      scf.for %while3A_98 = %while3A_95 to %while3A_91 step %while3A_97  : i32 {
        %dma_wait3A_99 = arith.constant 0 : i32
        %dma_wait3A_100 = tpu.memref_slice %arg8[%while3A_98, %dma_wait3A_99] : memref<34x16xi32, #tpu.memory_space<vmem>> -> memref<1x16xi32, #tpu.memory_space<vmem>>
        %dma_wait3A_101 = tpu.memref_squeeze %dma_wait3A_100 : memref<1x16xi32, #tpu.memory_space<vmem>> -> memref<16xi32, #tpu.memory_space<vmem>>
        %dma_wait3A_102 = arith.constant 0 : i32
        %dma_wait3A_103 = arith.constant 0 : i32
        %dma_wait3A_104 = tpu.memref_slice %arg3[%dma_wait3A_102, %dma_wait3A_103] : memref<128x2048xf32, #tpu.memory_space<hbm>> -> memref<128x2048xf32, #tpu.memory_space<hbm>>
        tpu.wait_indirect_dma semaphore(%arg22 : memref<!tpu.dma_semaphore, #tpu.memory_space<semaphore_mem>>) src(%dma_wait3A_104 : memref<128x2048xf32, #tpu.memory_space<hbm>>) dst(%arg13 : memref<16x2048xf32, #tpu.memory_space<vmem>>)
        %dma_start3A_105 = arith.constant 0 : i32
        %dma_start3A_106 = tpu.memref_slice %arg7[%while3A_98, %dma_start3A_105] : memref<34x16xi32, #tpu.memory_space<vmem>> -> memref<1x16xi32, #tpu.memory_space<vmem>>
        %dma_start3A_107 = tpu.memref_squeeze %dma_start3A_106 : memref<1x16xi32, #tpu.memory_space<vmem>> -> memref<16xi32, #tpu.memory_space<vmem>>
        %dma_start3A_108 = arith.constant 0 : i32
        %dma_start3A_109 = arith.constant 0 : i32
        %dma_start3A_110 = tpu.memref_slice %arg5[%dma_start3A_108, %dma_start3A_109] : memref<16384x2048xf32, #tpu.memory_space<hbm>> -> memref<16384x2048xf32, #tpu.memory_space<hbm>>
        tpu.enqueue_indirect_dma source(%arg13 : memref<16x2048xf32, #tpu.memory_space<vmem>>) target(%dma_start3A_110 : memref<16384x2048xf32, #tpu.memory_space<hbm>>) offsets(%dma_start3A_107 : memref<16xi32, #tpu.memory_space<vmem>>) semaphore(%arg14 : memref<!tpu.dma_semaphore, #tpu.memory_space<semaphore_mem>>)
        %dma_wait3A_111 = arith.constant 0 : i32
        %dma_wait3A_112 = tpu.memref_slice %arg7[%while3A_98, %dma_wait3A_111] : memref<34x16xi32, #tpu.memory_space<vmem>> -> memref<1x16xi32, #tpu.memory_space<vmem>>
        %dma_wait3A_113 = tpu.memref_squeeze %dma_wait3A_112 : memref<1x16xi32, #tpu.memory_space<vmem>> -> memref<16xi32, #tpu.memory_space<vmem>>
        %dma_wait3A_114 = arith.constant 0 : i32
        %dma_wait3A_115 = arith.constant 0 : i32
        %dma_wait3A_116 = tpu.memref_slice %arg5[%dma_wait3A_114, %dma_wait3A_115] : memref<16384x2048xf32, #tpu.memory_space<hbm>> -> memref<16384x2048xf32, #tpu.memory_space<hbm>>
        tpu.wait_indirect_dma semaphore(%arg14 : memref<!tpu.dma_semaphore, #tpu.memory_space<semaphore_mem>>) src(%arg13 : memref<16x2048xf32, #tpu.memory_space<vmem>>) dst(%dma_wait3A_116 : memref<16384x2048xf32, #tpu.memory_space<hbm>>)
        %add3A_117 = arith.constant 1 : i32
        %add3A_118 = arith.addi %while3A_98, %add3A_117 : i32
        %lt3A = arith.cmpi slt, %add3A_118, %select_n3A : i32
        %convert_element_type3A_119 = arith.extui %lt3A : i1 to i32
        %cond3A_120 = arith.constant 0 : i32
        %cond3A_121 = arith.cmpi ne, %convert_element_type3A_119, %cond3A_120 : i32
        scf.if %cond3A_121 {
          %add3A_122 = arith.constant 1 : i32
          %add3A_123 = arith.addi %while3A_98, %add3A_122 : i32
          %dma_start3A_124 = arith.constant 0 : i32
          %dma_start3A_125 = tpu.memref_slice %arg8[%add3A_123, %dma_start3A_124] : memref<34x16xi32, #tpu.memory_space<vmem>> -> memref<1x16xi32, #tpu.memory_space<vmem>>
          %dma_start3A_126 = tpu.memref_squeeze %dma_start3A_125 : memref<1x16xi32, #tpu.memory_space<vmem>> -> memref<16xi32, #tpu.memory_space<vmem>>
          %dma_start3A_127 = arith.constant 0 : i32
          %dma_start3A_128 = arith.constant 0 : i32
          %dma_start3A_129 = tpu.memref_slice %arg3[%dma_start3A_127, %dma_start3A_128] : memref<128x2048xf32, #tpu.memory_space<hbm>> -> memref<128x2048xf32, #tpu.memory_space<hbm>>
          tpu.enqueue_indirect_dma source(%dma_start3A_129 : memref<128x2048xf32, #tpu.memory_space<hbm>>) target(%arg13 : memref<16x2048xf32, #tpu.memory_space<vmem>>) offsets(%dma_start3A_126 : memref<16xi32, #tpu.memory_space<vmem>>) semaphore(%arg22 : memref<!tpu.dma_semaphore, #tpu.memory_space<semaphore_mem>>)
        } else {
        }
      }
    } else {
    }
    return
  }
}

</mosaic_0001>

<sc_bundles>
// kernel: kernel.3.cloned.1.call-start
scs
__scs_entry_jumppad:
0x0: {  	(pc) =	sbr.rel $0x88, $3  }
0x1: {  	(tag) =	ssettag $0x0;
	lr =	simm.s32 $0x1  }
0x2: {  	[smem:$0x3F9E] =	sst lr;
	_ =	strace $0xD0000000  }
0x3: {  	_ = 	snop  }
0x4: {  	_ = 	snop  }
0x5: {  	_ = 	snop  }
0x6: {  	_ = 	snop  }
0x7: {  	_ = 	snop  }
__scs_overlays_trampoline_lowered:
0x8: {  	[smem:$0x3FAD] =	sst s0  }
0x9: {  	[smem:$0x3FAE] =	sst s1  }
0xa: {  	[smem:$0x3FAF] =	sst s2  }
0xb: {  	[smem:$0x3FB0] =	sst s3  }
0xc: {  	[smem:$0x3FB1] =	sst s4  }
0xd: {  	[smem:$0x3FB2] =	sst s5  }
0xe: {  	[smem:$0x3FB3] =	sst s6  }
0xf: {  	[smem:$0x3FB4] =	sst s7  }
0x10: {  	[smem:$0x3FB5] =	sst s8  }
0x11: {  	[smem:$0x3FB6] =	sst s9;
	s0 =	simm.s32 @!p0 $0x0  }
0x12: {  	s1 =	sld [smem:$0x3F9C];
	s0 =	simm.s32 @p0 $0x1  }
0x13: {  	[smem:$0x3FB7] =	sst s0;
	s0 =	simm.s32 @!p1 $0x0  }
0x14: {  	s2 =	sld [smem:$0x3F9B];
	s0 =	simm.s32 @p1 $0x1  }
0x15: {  	[smem:$0x3FB8] =	sst s0;
	s0 =	simm.s32 @!p2 $0x0  }
0x16: {  	s3 =	sld [smem:$0x3FDB];
	s0 =	simm.s32 @p2 $0x1  }
0x17: {  	s4 =	simm.s32 $0x1BF5;
	[smem:$0x3FBA] =	sst s0  }
0x18: {  	s0 =	sld [smem:$0x3F9D];
	_ =	swait.ge [sflag:s4], $0x0  }
0x19: {  	s7 =	sld [smem:$0x3F9E]  }
0x1a: {  	s8 =	sadd.s32 $0xFFFFE003, lr  }
0x1b: {  	s9 =	sadd.s32 $0xFFFFFEF7, lr;
	s5 =	simm.s32 $0xFFFFFFFF;
	p2 =	slt.u32 s8, $0xFFFFF086  }
0x1c: {  	p1 =	slt.u32 s9, $0xF7A;
	s5 =	simm.s32 @!p2 $0x0  }
0x1d: {  	s5 =	simm.s32 @p1 $0x1;
	p0 =	seq.s32 s7, s2  }
0x1e: {  	s7 =	smul.u32 @!p0 $0xF7A, s2;
	p2 =	seq.s32 @!p0 s5, $0x0  }
0x1f: {  	s9 =	smul.u32 $0xF7A, s1;
	s8 =	simm.s32 @!p0 $0x1BF5;
	p2 =	por !p2, p0  }
0x20: {  	[sflag:s8] =	ssyncset.s32 @!p0 $0xFFFFF086;
	s6 =	sadd.s32 @!p0 s3, s7;
	s7 =	simm.s32 @!p0 $0x108  }
0x21: {  	s3 =	sadd.s32 s3, s9;
	s6 =	sadd.s32 @!p0 $0x88, s6;
	s7 =	simm.s32 @p2 $0x1082  }
0x22: {  	[simem:s7], [sflag:s8] =	dma.local @!p0 [hbm:s6], $0xF7A  }
0x23: {  	s9 =	sor.u32 $0xD0000000, s2;
	s6 =	simm.s32 $0x108;
	_ =	swait.ge @!p0 [sflag:s8], $0x0  }
0x24: {  	s3 =	sadd.s32 $0x88, s3;
	s6 =	simm.s32 @!p1 $0x1082;
	[sflag:s4] =	ssyncset.s32 $0xFFFFF086  }
0x25: {  	[simem:s6], [sflag:s4] =	dma.local [hbm:s3], $0xF7A  }
0x26: {  	[smem:$0x3F9E] =	sst s1;
	(tag) =	ssettag s2;
	_ =	strace s9  }
0x27: {  	s1 =	sld [smem:$0x3FAE]  }
0x28: {  	s2 =	sld [smem:$0x3FAF]  }
0x29: {  	s4 =	sld [smem:$0x3FB1]  }
0x2a: {  	p0 =	seq.s32 s5, $0x0;
	s5 =	sld [smem:$0x3FB2]  }
0x2b: {  	s6 =	sld [smem:$0x3FB3]  }
0x2c: {  	s7 =	sld [smem:$0x3FB4]  }
0x2d: {  	s3 =	simm.s32 $0x108;
	s8 =	sld [smem:$0x3FB5]  }
0x2e: {  	s3 =	simm.s32 @!p0 $0x1082;
	s9 =	sld [smem:$0x3FB6]  }
0x2f: {  	lr =	sadd.s32 s0, s3;
	s0 =	sld [smem:$0x3FAD]  }
0x30: {  	s3 =	sld [smem:$0x3FB0]  }
0x31: {  	[smem:$0x3FB9] =	sst s10  }
0x32: {  	s10 =	sld [smem:$0x3FB7];
	_ =	sdelay $0x3  }
0x33: {  	p0 =	seq.s32 s10, $0x1;
	s10 =	sld [smem:$0x3FB9];
	_ =	sdelay $0x3  }
0x34: {  	[smem:$0x3FB9] =	sst s10  }
0x35: {  	s10 =	sld [smem:$0x3FB8];
	_ =	sdelay $0x3  }
0x36: {  	p1 =	seq.s32 s10, $0x1;
	s10 =	sld [smem:$0x3FB9];
	_ =	sdelay $0x3  }
0x37: {  	[smem:$0x3FB9] =	sst s10  }
0x38: {  	s10 =	sld [smem:$0x3FBA]  }
0x39: {  	_ = 	snop;
	(pc) =	sbr.ind lr, $3  }
0x3a: {  	_ = 	snop  }
0x3b: {  	_ = 	snop  }
0x3c: {  	p2 =	seq.s32 s10, $0x1;
	s10 =	sld [smem:$0x3FB9]  }
0x3d: {  	_ =	shalt  }
0x3e: {  	_ =	shalt  }
0x3f: {  	_ =	shalt  }
0x40: {  	_ =	shalt  }
0x41: {  	_ =	shalt  }
0x42: {  	_ =	shalt  }
0x43: {  	_ =	shalt  }
0x44: {  	_ =	shalt  }
0x45: {  	_ =	shalt  }
0x46: {  	_ =	shalt  }
0x47: {  	_ =	shalt  }
0x48: {  	_ =	shalt  }
0x49: {  	_ =	shalt  }
0x4a: {  	_ =	shalt  }
0x4b: {  	_ =	shalt  }
0x4c: {  	_ =	shalt  }
0x4d: {  	_ =	shalt  }
0x4e: {  	_ =	shalt  }
0x4f: {  	_ =	shalt  }
0x50: {  	_ =	shalt  }
0x51: {  	_ =	shalt  }
0x52: {  	_ =	shalt  }
0x53: {  	_ =	shalt  }
0x54: {  	_ =	shalt  }
0x55: {  	_ =	shalt  }
0x56: {  	_ =	shalt  }
0x57: {  	_ =	shalt  }
0x58: {  	_ =	shalt  }
0x59: {  	_ =	shalt  }
0x5a: {  	_ =	shalt  }
0x5b: {  	_ =	shalt  }
0x5c: {  	_ =	shalt  }
0x5d: {  	_ =	shalt  }
0x5e: {  	_ =	shalt  }
0x5f: {  	_ =	shalt  }
0x60: {  	_ =	shalt  }
0x61: {  	_ =	shalt  }
0x62: {  	_ =	shalt  }
0x63: {  	_ =	shalt  }
0x64: {  	_ =	shalt  }
0x65: {  	_ =	shalt  }
0x66: {  	_ =	shalt  }
0x67: {  	_ =	shalt  }
0x68: {  	_ =	shalt  }
0x69: {  	_ =	shalt  }
0x6a: {  	_ =	shalt  }
0x6b: {  	_ =	shalt  }
0x6c: {  	_ =	shalt  }
0x6d: {  	_ =	shalt  }
0x6e: {  	_ =	shalt  }
0x6f: {  	_ =	shalt  }
0x70: {  	_ =	shalt  }
0x71: {  	_ =	shalt  }
0x72: {  	_ =	shalt  }
0x73: {  	_ =	shalt  }
0x74: {  	_ =	shalt  }
0x75: {  	_ =	shalt  }
0x76: {  	_ =	shalt  }
0x77: {  	_ =	shalt  }
0x78: {  	_ =	shalt  }
0x79: {  	_ =	shalt  }
0x7a: {  	_ =	shalt  }
0x7b: {  	_ =	shalt  }
0x7c: {  	_ =	shalt  }
0x7d: {  	_ =	shalt  }
0x7e: {  	_ =	shalt  }
0x7f: {  	_ =	shalt  }
0x80: {  	_ =	shalt  }
0x81: {  	_ =	shalt  }
0x82: {  	_ =	shalt  }
0x83: {  	_ =	shalt  }
0x84: {  	_ =	shalt  }
0x85: {  	_ =	shalt  }
0x86: {  	_ =	shalt  }
0x87: {  	_ =	shalt  }
.Lfunc_end0:
.L_simem_size_0:
called_computation_lowered:
.L_overlay_start_0:
0x88: {  	s2 =	sld [smem:$0x3FD9]  }
0x89: {  	s3 =	sld [smem:$0x3FFE];
	_ =	sdelay $0x1  }
0x8a: {  	s1 =	srdreg.scid  }
0x8b: {  	s0 =	sand.u32 $0x1, s1  }
0x8c: {  	s17 =	sshll.u32 s0, $0xA;
	s2 =	sadd.s32 s3, s2  }
0x8d: {  	s2 =	sadd.s32 s2, s17  }
0x8e: {  	[smem:$0x3FC5] =	sst s2  }
0x8f: {  	_ = 	snop  }
0x90: {  	s2 =	sld [smem:$0x3FC8]  }
0x91: {  	s18 =	sld [smem:$0x3FC7]  }
0x92: {  	s4 =	sld [smem:$0x3FD0];
	(tm) =	ssettm $0x1  }
0x93: {  	s5 =	sld [smem:$0x3FFB];
	_ =	sdelay $0x3  }
0x94: {  	_ =	strace s5  }
0x95: {  	s5 =	sld [smem:$0x3FFC];
	_ =	sdelay $0x3  }
0x96: {  	_ =	strace s5  }
0x97: {  	s5 =	sld [smem:$0x3FFD];
	_ =	sdelay $0x3  }
0x98: {  	_ =	strace s5  }
0x99: {  	_ =	strace $0x8FFFFFFF  }
0x9a: {  	s19 =	sld [smem:$0x3FDB];
	_ =	sdelay $0x1  }
0x9b: {  	s6 =	simm.s32 $_scs_section_size  }
0x9c: {  	s7 =	simm.s32 $_size__tile_overlayer_lowered;
	s8 =	simm.s32 $_tile_overlayer_lowered  }
0x9d: {  	s22 =	simm.s32 $0x1BFF;
	s21 =	sshll.u32 s8, $0x1;
	s5 =	sadd.s32 s6, s19  }
0x9e: {  	s9 =	simm.s32 $0x0;
	s20 =	sshll.u32 s7, $0x1;
	s7 =	sadd.s32 s21, s5  }
0x9f: {  	[timem:s9], [sflag:s22] =	dma.local [hbm:s7], s20  }
0xa0: {  	_ =	swait.ge [sflag:s22], s20  }
0xa1: {  	s6 =	ssub.s32 $0x0, s20;
	[sflag:s22] =	ssyncset.done $0x0  }
0xa2: {  	[sflag:s22] =	ssyncadd.s32 s6;
	_ =	sdelay $0x1  }
0xa3: {  	s23 =	simm.s32 $0x1B8B  }
0xa4: {  	_ =	swait.ge [sflag:s23], $0x1  }
0xa5: {  	[sflag:s23] =	ssyncset.done $0x0  }
0xa6: {  	s25 =	simm.s32 $0x1B8E;
	s24 =	sld [smem:$0x3FFE];
	[sflag:s23] =	ssyncadd.s32 $0xFFFFFFFF  }
0xa7: {  	s26 =	simm.s32 $execute0_lowered;
	[smem:$0x3FD2] =	sst s25  }
0xa8: {  	s7 =	sshll.u32 s26, $0x1;
	_ =	strace $0x80000046;
	[dreg:$0x1] =	wrdreg $0xFFFFFFFF  }
0xa9: {  	s28 =	simm.s32 $_size_execute0_lowered;
	s5 =	sadd.s32 s5, s7;
	[dreg:$0x0] =	wrdreg $0x0  }
0xaa: {  	s7 =	sshll.u32 s28, $0x1;
	[dreg:$0x2] =	wrdreg s5  }
0xab: {  	[dreg:$0x3] =	wrdreg s7  }
0xac: {  	[dreg:$0x4] =	wrdreg $0xC0  }
0xad: {  	_ =	task [dreg:s9], $0x5FFFF  }
0xae: {  	[dreg:$0x1] =	wrdreg $0xFFFFFFFF  }
0xaf: {  	[dreg:$0x0] =	wrdreg $0x60  }
0xb0: {  	[dreg:$0x2] =	wrdreg s2  }
0xb1: {  	[dreg:$0x3] =	wrdreg s18  }
0xb2: {  	[dreg:$0x4] =	wrdreg s24  }
0xb3: {  	[dreg:$0x5] =	wrdreg s4  }
0xb4: {  	[dreg:$0x6] =	wrdreg $0x9  }
0xb5: {  	_ =	task.clear_ibuf [dreg:s9], $0x7FFFF;
	_ =	strace $0x90000046  }
0xb6: {  	s29 =	simm.s32 $0x9;
	_ =	strace $0x80000048  }
0xb7: {  	_ =	swait.ge [sflag:s29], $0x1  }
0xb8: {  	[sflag:s29] =	ssyncadd.s32 $0xFFFFFFFF  }
0xb9: {  	_ =	strace $0x90000048  }
0xba: {  	_ =	sfence  }
0xbb: {  	s30 =	sld [smem:$0x0];
	_ =	sdelay $0x2  }
0xbc: {  	s31 =	sshll.u32 s1, $0xD;
	s1 =	sshrl.u32 s1, $0x2  }
0xbd: {  	s3 =	sand.u32 $0x4000, s31;
	s1 =	sadd.s32 s1, s30  }
0xbe: {  	s0 =	sor.u32 s3, s0;
	s1 =	sshll.u32 s1, $0x11  }
0xbf: {  	s0 =	sor.u32 s1, s0  }
0xc0: {  	s0 =	sadd.s32 $0x8F2B, s0  }
0xc1: {  	[sflag:s0] =	ssyncadd.remote.s32 $0x1  }
0xc2: {  	_ =	sfence.sel $0xFFFF  }
0xc3: {  	[dreg:$0x0] =	wrdreg $0xFFFFFFFF;
	(pc) =	sbr.abs _section_cstart, $3  }
0xc4: {  	[dreg:$0x1] =	wrdreg $0xFFFFFFFF  }
0xc5: {  	_ =	task.clear_ibuf [dreg:s9], $0x2FFFF;
	_ =	strace $0x9FFFFFFF  }
0xc6: {  	(tm) =	ssettm $0x7FFFFFFF  }
0xc7: {  	_ =	shalt  }
tec
execute0_lowered:
.L_overlay_start_1:
0x0: {  	(tag) =	ssettag $0x1  }
0x1: {  	s0 =	rddreg [dreg:$0x0]  }
0x2: {  	s15 =	rddreg [dreg:$0x1]  }
0x3: {  	s1 =	rddreg [dreg:$0x2]  }
0x4: {  	s29 =	rddreg [dreg:$0x3];
	s5 =	simm.s32 $0x0  }
0x5: {  	s24 =	simm.s32 $0x12A00;
	[smem:$0x7FF] =	sst s5  }
0x6: {  	s25 =	simm.s32 $0x13200;
	_ =	strace $0x80000047;
	[dreg:$0x5] =	wrdreg s24  }
0x7: {  	s26 =	simm.s32 $0x13A00;
	[dreg:$0x6] =	wrdreg s25  }
0x8: {  	s28 =	simm.s32 $0x14200;
	[dreg:$0x7] =	wrdreg s26  }
0x9: {  	s17 =	simm.s32 $0x15A00;
	[dreg:$0x8] =	wrdreg s28  }
0xa: {  	s2 =	srdreg.scid;
	s20 =	sadd.s32 $0x400, s15;
	[dreg:$0xb] =	wrdreg s17  }
0xb: {  	s7 =	stileid.u32;
	s19 =	simm.s32 $0x16200;
	[dreg:$0x17] =	wrdreg s20  }
0xc: {  	s21 =	simm.s32 $0x16A00;
	s22 =	simm.s32 $0x17200;
	[dreg:$0xc] =	wrdreg s19  }
0xd: {  	s2 =	sand.u32 $0x1, s2;
	s3 =	sshll.u32 s7, $0xA;
	[dreg:$0xd] =	wrdreg s21  }
0xe: {  	s8 =	sadd.s32 $0x100, s0;
	s9 =	sadd.s32 $0x200, s0;
	[dreg:$0xe] =	wrdreg s22  }
0xf: {  	s10 =	sadd.s32 $0x300, s0;
	s11 =	sadd.s32 $0x400, s0;
	[smem:$0x7F9] =	sst s8  }
0x10: {  	s18 =	sadd.s32 $0x100, s15;
	s30 =	sadd.s32 $0x200, s15;
	[smem:$0x7FA] =	sst s9  }
0x11: {  	s31 =	sadd.s32 $0x300, s15;
	s25 =	simm.s32 $0x18200;
	[smem:$0x7FD] =	sst s10  }
0x12: {  	s4 =	sshll.u32 s2, $0x9;
	s26 =	simm.s32 $0x18A00;
	[dreg:$0x10] =	wrdreg s25  }
0x13: {  	s23 =	ssub.s32 $0x2, s2;
	s28 =	simm.s32 $0x19200;
	[dreg:$0x11] =	wrdreg s26  }
0x14: {  	s24 =	sshll.u32 s7, $0x12;
	s7 =	sadd.s32 $0x100, s29;
	[dreg:$0x12] =	wrdreg s28  }
0x15: {  	s19 =	sadd.s32 $0x500, s15;
	s17 =	sadd.s32 $0x300, s29;
	[dreg:$0x19] =	wrdreg s7  }
0x16: {  	s16 =	sor.u32 s4, s3;
	s6 =	sshrl.u32 s23, $0x1;
	[smem:$0x7FB] =	sst s17  }
0x17: {  	s26 =	sadd.s32 $0x700, s15;
	s4 =	sshrl.u32 s16, $0x3;
	[dreg:$0x15] =	wrdreg s16  }
0x18: {  	s3 =	ssub.s32 s23, s6;
	s6 =	simm.s32 $0x14A00;
	[dreg:$0x1e] =	wrdreg s26  }
0x19: {  	s23 =	simm.s32 $0x17A00;
	s1 =	sadd.s32 s4, s1;
	[dreg:$0x9] =	wrdreg s6  }
0x1a: {  	s4 =	sshll.u32 s16, $0x8;
	s16 =	simm.s32 $0x15200;
	[dreg:$0xf] =	wrdreg s23  }
0x1b: {  	s20 =	sadd.s32 $0x600, s15;
	s15 =	smax.u32 s3, $0x1;
	[dreg:$0xa] =	wrdreg s16  }
0x1c: {  	s6 =	sadd.s32 s24, s29;
	s24 =	sadd.s32 $0x600, s29;
	[dreg:$0x1a] =	wrdreg s15  }
0x1d: {  	s12 =	sadd.s32 $0x500, s0;
	s23 =	sadd.s32 $0x400, s29;
	[dreg:$0x1d] =	wrdreg s24  }
0x1e: {  	s2 =	sshll.u32 s2, $0x11;
	s1 =	sadd.s32 $0x400, s1;
	[smem:$0x7FC] =	sst s23  }
0x1f: {  	s22 =	sadd.s32 s2, s6;
	s2 =	simm.s32 $0x19A00;
	[dreg:$0x16] =	wrdreg s1  }
0x20: {  	s13 =	sadd.s32 $0x600, s0;
	s6 =	simm.s32 $0x1A200;
	[dreg:$0x13] =	wrdreg s2  }
0x21: {  	s14 =	sadd.s32 $0x700, s0;
	s16 =	sadd.s32 $0x200, s29;
	[dreg:$0x14] =	wrdreg s6  }
.Ltmp0:
0x22: {  	s7 =	simm.s32 $0x1;
	[dreg:$0x1c] =	wrdreg s16;
	(pc) =	sbr.rel .LBB2_1-.Ltmp0, $4  }
0x23: {  	s3 =	sadd.s32 $0x700, s29;
	s25 =	sadd.s32 s4, s29;
	[dreg:$0x18] =	wrdreg s22  }
0x24: {  	v0 =	vlaneseq.u32;
	s4 =	sadd.s32 $0x500, s29;
	s28 =	sadd.s32 $0x1F800, s25;
	[dreg:$0x1b] =	wrdreg s25  }
0x25: {  	v1 =	vimm.s32 $0x0;
	vm0 =	vmmov $0xffff;
	v3 =	vshrl.u32 v0, $0x3;
	s24 =	simm.s32 $0x1600;
	s21 =	sadd.s32 $0x1000, s25;
	[dreg:$0x1f] =	wrdreg s28  }
0x26: {  	v2 =	vand.u32 $0x7, v0;
	v4 =	vor.u32 $0x8, v0;
	v3 =	vmul.u32 $0x8, v3;
	s15 =	simm.s32 $0x0;
	s2 =	simm.s32 $0x200;
	[smem:$0x7F8] =	sst s21  }
.LBB2_9:
0x27: {  	s15 =	sld [smem:$0x7F7];
	_ =	sdelay $0x1  }
0x28: {  	s1 =	rddreg [dreg:$0x1a]  }
0x29: {  	s22 =	rddreg [dreg:$0x18];
	s15 =	sadd.s32 $0x1, s15  }
0x2a: {  	s25 =	rddreg [dreg:$0x1b];
	p0 =	sne.s32 s15, s1  }
.Ltmp1:
0x2b: {  	s4 =	smov.u32 s0;
	s0 =	rddreg [dreg:$0x0];
	(pc) =	sbr.rel @!p0 .LBB2_10-.Ltmp1, $4  }
0x2c: {  	s21 =	sld [smem:$0x7F8]  }
0x2d: {  	s8 =	sld [smem:$0x7F9]  }
0x2e: {  	s9 =	sld [smem:$0x7FA]  }
0x2f: {  	s7 =	simm.s32 $0x1;
	s10 =	sld [smem:$0x7FD]  }
.LBB2_1:
0x30: {  	[smem:$0x7F7] =	sst s15  }
0x31: {  	s23 =	rddreg [dreg:$0x16];
	s1 =	simm.s32 $0xA  }
0x32: {  	[tilespmem:s5], [sflag:$0xA] =	stream.linear.gather [hbm4b:s23+s5], $0x200, $0x38;
	[tilespmem:$0x1AA00] =	vst v63  }
0x33: {  	_ =	swait.ge [sflag:s1], $0x200  }
0x34: {  	[sflag:s1] =	ssyncset.done $0x0  }
0x35: {  	s26 =	simm.s32 $0x0;
	[sflag:s1] =	ssyncadd.s32 $0xFFFFFE00  }
0x36: {  	v5 =	vld [tilespmem:s26+$0x0];
	_ =	sdelay $0x4  }
0x37: {  	vm1 =	vgt.s32 v5, $0x1869F  }
0x38: {  	v6 =	vsel vm1, $0x1, v1  }
0x39: {  	(xrf0) =	vadd.scan.msk.s32 $0xffff, v6;
	_ =	sdelay $0x4  }
0x3a: {  	v6 =	vsel vm1, $0xFFFFFFFF, v1  }
0x3b: {  	v6 =	vadd.s32 s5, v6;
	v7, _, _ =	vpop (xrf0)  }
0x3c: {  	v6 =	vadd.s32 v7, v6  }
0x3d: {  	v8 =	vshll.u32 v6, $0x3  }
0x3e: {  	v6 =	vand.u32 $0xF, v6;
	v8 =	vand.u32 $0xFFFFFF80, v8  }
0x3f: {  	v6 =	vor.u32 v6, v8;
	_ =	sdelay $0x2  }
0x40: {  	s23 =	rddreg [dreg:$0x15];
	(v2sf) =	vpush v7, $0xF;
	v7 =	vsel vm1, $0x1869F, v5  }
0x41: {  	[tilespmem:s26+$0x0] =	vst v7;
	v7 =	vor.u32 s23, v0  }
0x42: {  	v5 =	vadd.s32 $0xFFFE7960, v5;
	[tilespmem:v6+s2+$0x0] =	vst.idx.msk vm1, v7  }
0x43: {  	s16 =	simm.s32 $0x10;
	[tilespmem:v6+s24+$0x0] =	vst.idx.msk vm1, v5  }
0x44: {  	v5 =	vld [tilespmem:s16+$0x0];
	_ =	sdelay $0x4  }
0x45: {  	vm1 =	vgt.s32 v5, $0x1869F  }
0x46: {  	v6 =	vsel vm1, $0x1, v1  }
0x47: {  	(xrf0) =	vadd.scan.msk.s32 $0xffff, v6;
	_ =	sdelay $0x3  }
0x48: {  	s28 =	spop (v2sf)  }
0x49: {  	s15 =	sadd.s32 $0x0, s28;
	v6 =	vsel vm1, $0xFFFFFFFF, v1  }
0x4a: {  	v6 =	vadd.s32 s15, v6;
	v7, _, _ =	vpop (xrf0)  }
0x4b: {  	v6 =	vadd.s32 v7, v6;
	(v2sf) =	vpush v7, $0xF  }
0x4c: {  	v8 =	vshll.u32 v6, $0x3  }
0x4d: {  	s17 =	simm.s32 $0x80;
	s26 =	simm.s32 $0xC0;
	v6 =	vand.u32 $0xF, v6;
	v7 =	vand.u32 $0xFFFFFF80, v8  }
.LBB2_2:
0x4e: {  	p0 =	sne.s32 s26, $0x7C0;
	v6 =	vor.u32 v6, v7;
	_ =	sdelay $0x2  }
0x4f: {  	v7 =	vsel vm1, $0x1869F, v5;
	s23 =	sadd.s32 $0x10, s23  }
0x50: {  	[tilespmem:s16+$0x0] =	vst v7;
	v7 =	vor.u32 s23, v0  }
0x51: {  	v5 =	vadd.s32 $0xFFFE7960, v5;
	[tilespmem:v6+s2+$0x0] =	vst.idx.msk vm1, v7  }
0x52: {  	s16 =	sshra.s32 s17, $0x2;
	s17 =	smov.u32 s26;
	[tilespmem:v6+s24+$0x0] =	vst.idx.msk vm1, v5  }
0x53: {  	v5 =	vld [tilespmem:s16+$0x0];
	_ =	sdelay $0x4  }
0x54: {  	vm1 =	vgt.s32 v5, $0x1869F;
	s28 =	spop (v2sf)  }
0x55: {  	v6 =	vsel vm1, $0x1, v1;
	s15 =	sadd.s32 s15, s28  }
0x56: {  	(xrf0) =	vadd.scan.msk.s32 $0xffff, v6;
	_ =	sdelay $0x4  }
.Ltmp2:
0x57: {  	v6 =	vsel vm1, $0xFFFFFFFF, v1;
	(pc) =	sbr.rel @p0 .LBB2_2-.Ltmp2, $4  }
0x58: {  	v6 =	vadd.s32 s15, v6;
	v7, _, _ =	vpop (xrf0)  }
0x59: {  	v6 =	vadd.s32 v7, v6;
	(v2sf) =	vpush v7, $0xF  }
0x5a: {  	v7 =	vshll.u32 v6, $0x3  }
0x5b: {  	s26 =	sadd.s32 $0x40, s26;
	v6 =	vand.u32 $0xF, v6;
	v7 =	vand.u32 $0xFFFFFF80, v7  }
0x5c: {  	v6 =	vor.u32 v6, v7;
	_ =	sdelay $0x2  }
0x5d: {  	v7 =	vsel vm1, $0x1869F, v5;
	s23 =	sadd.s32 $0x10, s23  }
0x5e: {  	[tilespmem:s16+$0x0] =	vst v7;
	v7 =	vor.u32 s23, v0  }
0x5f: {  	v5 =	vadd.s32 $0xFFFE7960, v5;
	[tilespmem:v6+s2+$0x0] =	vst.idx.msk vm1, v7  }
0x60: {  	s26 =	sshra.s32 s17, $0x2;
	[tilespmem:v6+s24+$0x0] =	vst.idx.msk vm1, v5  }
0x61: {  	v5 =	vld [tilespmem:s26+$0x0];
	_ =	sdelay $0x4  }
0x62: {  	vm1 =	vgt.s32 v5, $0x1869F  }
0x63: {  	v6 =	vsel vm1, $0x1, v1  }
0x64: {  	(xrf0) =	vadd.scan.msk.s32 $0xffff, v6;
	_ =	sdelay $0x5  }
0x65: {  	v6, _, _ =	vpop (xrf0)  }
0x66: {  	(v2sf) =	vpush v6, $0xF;
	_ =	sdelay $0x8  }
0x67: {  	s1 =	spop (v2sf)  }
0x68: {  	s15 =	sadd.s32 s15, s1;
	v7 =	vsel vm1, $0xFFFFFFFF, v1  }
0x69: {  	v7 =	vadd.s32 s15, v7  }
0x6a: {  	v6 =	vadd.s32 v6, v7  }
0x6b: {  	v7 =	vshll.u32 v6, $0x3  }
0x6c: {  	v6 =	vand.u32 $0xF, v6;
	v7 =	vand.u32 $0xFFFFFF80, v7  }
0x6d: {  	v6 =	vor.u32 v6, v7;
	s6 =	spop (v2sf)  }
0x6e: {  	s1 =	sadd.s32 s15, s6  }
0x6f: {  	p0 =	slt.s32 s1, $0x1  }
0x70: {  	s23 =	sadd.s32 $0x10, s23;
	v7 =	vsel vm1, $0x1869F, v5;
	v8 =	vlaneseq.u32 @!p0  }
0x71: {  	[tilespmem:s26+$0x0] =	vst v7;
	v7 =	vor.u32 s23, v0;
	v8 =	vadd.s32 @!p0 s1, v8  }
0x72: {  	v5 =	vadd.s32 $0xFFFE7960, v5;
	[tilespmem:v6+s2+$0x0] =	vst.idx.msk vm1, v7;
	v7 =	vshll.u32 @!p0 v8, $0x3  }
0x73: {  	[tilespmem:v6+s24+$0x0] =	vst.idx.msk vm1, v5;
	vm1 =	vgt.s32 @!p0 v8, $0xFFFFFFFF;
	v5 =	vand.u32 @!p0 $0xF, v8;
	v6 =	vand.u32 @!p0 $0xFFFFFF80, v7  }
0x74: {  	v7 =	vld.msk @!p0 [tilespmem:$0x200 ss:$0x0], $0xffff;
	v5 =	vor.u32 @!p0 v5, v6  }
0x75: {  	v6 =	vld.msk @!p0 [tilespmem:$0x1600 ss:$0x0], $0xffff;
	_ =	sdelay $0x2  }
0x76: {  	s15 =	simm.s32 @!p0 $0x200  }
0x77: {  	[tilespmem:v5+s15+$0x0] =	vst.idx.msk @!p0 vm1, v7;
	s15 =	simm.s32 @!p0 $0x1600  }
0x78: {  	[tilespmem:v5+s15+$0x0] =	vst.idx.msk @!p0 vm1, v6  }
0x79: {  	v5 =	vld.msk [tilespmem:$0x0], $0xff;
	_ =	sdelay $0x4  }
0x7a: {  	v6 =	vshll.u32 v5, $0x4  }
0x7b: {  	v5 =	vand.u32 $0x7, v5;
	v6 =	vand.u32 $0xFFFFFF80, v6  }
0x7c: {  	v5 =	vor.u32 v5, v6  }
0x7d: {  	v5 =	vperm.xlane v5, v2;
	_ =	sdelay $0x1  }
0x7e: {  	v5 =	vadd.s32 v3, v5;
	_ =	sdelay $0x3  }
0x7f: {  	s26 =	simm.s32 $0x2A00;
	s15 =	simm.s32 $0x0  }
0x80: {  	[tilespmem:s26], [sflag:$0x1] =	stream.indirect_vreg.gather [hbm4b:s0+s15], $0x80, v5, vm0, $0xb8;
	[tilespmem:$0x1AA00] =	vst v63  }
0x81: {  	s6 =	simm.s32 $0x3200  }
0x82: {  	[tilespmem:s6], [sflag:$0x1] =	stream.indirect_vreg.gather [hbm4b:s8+s15], $0x80, v5, vm0, $0xb8;
	[tilespmem:$0x1AA00] =	vst v63  }
0x83: {  	s16 =	simm.s32 $0x3A00  }
0x84: {  	[tilespmem:s16], [sflag:$0x1] =	stream.indirect_vreg.gather [hbm4b:s9+s15], $0x80, v5, vm0, $0xb8;
	[tilespmem:$0x1AA00] =	vst v63  }
0x85: {  	s17 =	simm.s32 $0x4200  }
0x86: {  	[tilespmem:s17], [sflag:$0x1] =	stream.indirect_vreg.gather [hbm4b:s10+s15], $0x80, v5, vm0, $0xb8;
	[tilespmem:$0x1AA00] =	vst v63  }
0x87: {  	s23 =	simm.s32 $0x4A00  }
0x88: {  	[tilespmem:s23], [sflag:$0x1] =	stream.indirect_vreg.gather [hbm4b:s11+s15], $0x80, v5, vm0, $0xb8;
	[tilespmem:$0x1AA00] =	vst v63  }
0x89: {  	s26 =	simm.s32 $0x5200  }
0x8a: {  	[tilespmem:s26], [sflag:$0x1] =	stream.indirect_vreg.gather [hbm4b:s12+s15], $0x80, v5, vm0, $0xb8;
	[tilespmem:$0x1AA00] =	vst v63  }
0x8b: {  	s6 =	simm.s32 $0x5A00  }
0x8c: {  	[tilespmem:s6], [sflag:$0x1] =	stream.indirect_vreg.gather [hbm4b:s13+s15], $0x80, v5, vm0, $0xb8;
	[tilespmem:$0x1AA00] =	vst v63  }
0x8d: {  	s16 =	simm.s32 $0x6200  }
0x8e: {  	[tilespmem:s16], [sflag:$0x1] =	stream.indirect_vreg.gather [hbm4b:s14+s15], $0x80, v5, vm0, $0xb8;
	[tilespmem:$0x1AA00] =	vst v63  }
0x8f: {  	v5 =	vld.msk [tilespmem:$0x8], $0xff;
	_ =	sdelay $0x4  }
0x90: {  	v6 =	vshll.u32 v5, $0x4  }
0x91: {  	v5 =	vand.u32 $0x7, v5;
	v6 =	vand.u32 $0xFFFFFF80, v6  }
0x92: {  	v5 =	vor.u32 v5, v6  }
0x93: {  	v5 =	vperm.xlane v5, v2;
	_ =	sdelay $0x1  }
0x94: {  	v5 =	vadd.s32 v3, v5;
	_ =	sdelay $0x3  }
0x95: {  	s26 =	simm.s32 $0x6A00  }
0x96: {  	[tilespmem:s26], [sflag:$0x2] =	stream.indirect_vreg.gather [hbm4b:s0+s15], $0x80, v5, vm0, $0xb8;
	[tilespmem:$0x1AA00] =	vst v63  }
0x97: {  	s17 =	simm.s32 $0x7200  }
0x98: {  	[tilespmem:s17], [sflag:$0x2] =	stream.indirect_vreg.gather [hbm4b:s8+s15], $0x80, v5, vm0, $0xb8;
	[tilespmem:$0x1AA00] =	vst v63  }
0x99: {  	s23 =	simm.s32 $0x7A00  }
0x9a: {  	[tilespmem:s23], [sflag:$0x2] =	stream.indirect_vreg.gather [hbm4b:s9+s15], $0x80, v5, vm0, $0xb8;
	[tilespmem:$0x1AA00] =	vst v63  }
0x9b: {  	s6 =	simm.s32 $0x8200  }
0x9c: {  	[tilespmem:s6], [sflag:$0x2] =	stream.indirect_vreg.gather [hbm4b:s10+s15], $0x80, v5, vm0, $0xb8;
	[tilespmem:$0x1AA00] =	vst v63  }
0x9d: {  	s16 =	simm.s32 $0x8A00  }
0x9e: {  	[tilespmem:s16], [sflag:$0x2] =	stream.indirect_vreg.gather [hbm4b:s11+s15], $0x80, v5, vm0, $0xb8;
	[tilespmem:$0x1AA00] =	vst v63  }
0x9f: {  	s17 =	simm.s32 $0x9200  }
0xa0: {  	[tilespmem:s17], [sflag:$0x2] =	stream.indirect_vreg.gather [hbm4b:s12+s15], $0x80, v5, vm0, $0xb8;
	[tilespmem:$0x1AA00] =	vst v63  }
0xa1: {  	s23 =	simm.s32 $0x9A00  }
0xa2: {  	[tilespmem:s23], [sflag:$0x2] =	stream.indirect_vreg.gather [hbm4b:s13+s15], $0x80, v5, vm0, $0xb8;
	[tilespmem:$0x1AA00] =	vst v63  }
0xa3: {  	s6 =	simm.s32 $0xA200  }
0xa4: {  	[tilespmem:s6], [sflag:$0x2] =	stream.indirect_vreg.gather [hbm4b:s14+s15], $0x80, v5, vm0, $0xb8;
	[tilespmem:$0x1AA00] =	vst v63  }
0xa5: {  	v5 =	vld.msk [tilespmem:$0x10], $0xff;
	_ =	sdelay $0x4  }
0xa6: {  	v6 =	vshll.u32 v5, $0x4  }
0xa7: {  	v5 =	vand.u32 $0x7, v5;
	v6 =	vand.u32 $0xFFFFFF80, v6  }
0xa8: {  	v5 =	vor.u32 v5, v6  }
0xa9: {  	v5 =	vperm.xlane v5, v2;
	_ =	sdelay $0x1  }
0xaa: {  	v5 =	vadd.s32 v3, v5;
	_ =	sdelay $0x3  }
0xab: {  	s6 =	simm.s32 $0xAA00  }
0xac: {  	[tilespmem:s6], [sflag:$0x3] =	stream.indirect_vreg.gather [hbm4b:s0+s15], $0x80, v5, vm0, $0xb8;
	[tilespmem:$0x1AA00] =	vst v63  }
0xad: {  	s16 =	simm.s32 $0xB200  }
0xae: {  	[tilespmem:s16], [sflag:$0x3] =	stream.indirect_vreg.gather [hbm4b:s8+s15], $0x80, v5, vm0, $0xb8;
	[tilespmem:$0x1AA00] =	vst v63  }
0xaf: {  	s17 =	simm.s32 $0xBA00  }
0xb0: {  	[tilespmem:s17], [sflag:$0x3] =	stream.indirect_vreg.gather [hbm4b:s9+s15], $0x80, v5, vm0, $0xb8;
	[tilespmem:$0x1AA00] =	vst v63  }
0xb1: {  	s23 =	simm.s32 $0xC200  }
0xb2: {  	[tilespmem:s23], [sflag:$0x3] =	stream.indirect_vreg.gather [hbm4b:s10+s15], $0x80, v5, vm0, $0xb8;
	[tilespmem:$0x1AA00] =	vst v63  }
0xb3: {  	s16 =	simm.s32 $0xCA00  }
0xb4: {  	[tilespmem:s16], [sflag:$0x3] =	stream.indirect_vreg.gather [hbm4b:s11+s15], $0x80, v5, vm0, $0xb8;
	[tilespmem:$0x1AA00] =	vst v63  }
0xb5: {  	s17 =	simm.s32 $0xD200  }
0xb6: {  	[tilespmem:s17], [sflag:$0x3] =	stream.indirect_vreg.gather [hbm4b:s12+s15], $0x80, v5, vm0, $0xb8;
	[tilespmem:$0x1AA00] =	vst v63  }
0xb7: {  	s23 =	simm.s32 $0xDA00  }
0xb8: {  	[tilespmem:s23], [sflag:$0x3] =	stream.indirect_vreg.gather [hbm4b:s13+s15], $0x80, v5, vm0, $0xb8;
	[tilespmem:$0x1AA00] =	vst v63  }
0xb9: {  	s16 =	simm.s32 $0xE200  }
0xba: {  	[tilespmem:s16], [sflag:$0x3] =	stream.indirect_vreg.gather [hbm4b:s14+s15], $0x80, v5, vm0, $0xb8;
	[tilespmem:$0x1AA00] =	vst v63  }
0xbb: {  	v5 =	vld.msk [tilespmem:$0x18], $0xff;
	_ =	sdelay $0x4  }
0xbc: {  	v6 =	vshll.u32 v5, $0x4  }
0xbd: {  	v5 =	vand.u32 $0x7, v5;
	v6 =	vand.u32 $0xFFFFFF80, v6  }
0xbe: {  	v5 =	vor.u32 v5, v6  }
0xbf: {  	v5 =	vperm.xlane v5, v2;
	_ =	sdelay $0x1  }
0xc0: {  	v5 =	vadd.s32 v3, v5;
	_ =	sdelay $0x3  }
0xc1: {  	s17 =	simm.s32 $0xEA00  }
0xc2: {  	[tilespmem:s17], [sflag:$0x4] =	stream.indirect_vreg.gather [hbm4b:s0+s15], $0x80, v5, vm0, $0xb8;
	[tilespmem:$0x1AA00] =	vst v63  }
0xc3: {  	s23 =	simm.s32 $0xF200  }
0xc4: {  	[tilespmem:s23], [sflag:$0x4] =	stream.indirect_vreg.gather [hbm4b:s8+s15], $0x80, v5, vm0, $0xb8;
	[tilespmem:$0x1AA00] =	vst v63  }
0xc5: {  	s16 =	simm.s32 $0xFA00  }
0xc6: {  	[tilespmem:s16], [sflag:$0x4] =	stream.indirect_vreg.gather [hbm4b:s9+s15], $0x80, v5, vm0, $0xb8;
	[tilespmem:$0x1AA00] =	vst v63  }
0xc7: {  	s17 =	simm.s32 $0x10200  }
0xc8: {  	[tilespmem:s17], [sflag:$0x4] =	stream.indirect_vreg.gather [hbm4b:s10+s15], $0x80, v5, vm0, $0xb8;
	[tilespmem:$0x1AA00] =	vst v63  }
0xc9: {  	s23 =	simm.s32 $0x10A00  }
0xca: {  	[tilespmem:s23], [sflag:$0x4] =	stream.indirect_vreg.gather [hbm4b:s11+s15], $0x80, v5, vm0, $0xb8;
	[tilespmem:$0x1AA00] =	vst v63  }
0xcb: {  	s28 =	rddreg [dreg:$0x1];
	s16 =	simm.s32 $0x11200  }
0xcc: {  	[tilespmem:s16], [sflag:$0x4] =	stream.indirect_vreg.gather [hbm4b:s12+s15], $0x80, v5, vm0, $0xb8;
	[tilespmem:$0x1AA00] =	vst v63  }
0xcd: {  	[smem:$0x7F6] =	sst s1;
	s17 =	simm.s32 $0x11A00  }
0xce: {  	[tilespmem:s17], [sflag:$0x4] =	stream.indirect_vreg.gather [hbm4b:s13+s15], $0x80, v5, vm0, $0xb8;
	[tilespmem:$0x1AA00] =	vst v63  }
0xcf: {  	s1 =	rddreg [dreg:$0x17];
	s23 =	simm.s32 $0x12200;
	s16 =	simm.s32 $0x30  }
0xd0: {  	[tilespmem:s23], [sflag:$0x4] =	stream.indirect_vreg.gather [hbm4b:s14+s15], $0x80, v5, vm0, $0xb8;
	[tilespmem:$0x1AA00] =	vst v63  }
.LBB2_4:
0xd1: {  	_ =	swait.ge [sflag:s7], $0x4000  }
0xd2: {  	s17 =	sadd.s32 s15, s22;
	[sflag:s7] =	ssyncset.done $0x0  }
0xd3: {  	s23 =	simm.s32 $0x2A00;
	p1 =	seq.s32 s15, $0x0;
	[sflag:s7] =	ssyncadd.s32 $0xFFFFC000  }
0xd4: {  	[hbm4b:s17+s5] =	stream.linear.scatter [tilespmem:s23], [sflag:$0x5], $0x4000, $0x38;
	[tilespmem:$0x1AA00] =	vst v63  }
0xd5: {  	s17 =	simm.s32 @!p1 $0x8  }
0xd6: {  	_ =	swait.ge @!p1 [sflag:s17], $0x4000  }
0xd7: {  	[sflag:s17] =	ssyncset.done @!p1 $0x0  }
0xd8: {  	[sflag:s17] =	ssyncadd.s32 @!p1 $0xFFFFC000  }
0xd9: {  	v5 =	vld.msk @!p1 [tilespmem:s16+$0xFFFFFFE8], $0xff;
	_ =	sdelay $0x4  }
0xda: {  	v6 =	vshll.u32 @!p1 v5, $0x4  }
0xdb: {  	v7 =	vlaneseq.u32 @!p1;
	v5 =	vand.u32 @!p1 $0x7, v5;
	v6 =	vand.u32 @!p1 $0xFFFFFF80, v6  }
0xdc: {  	v5 =	vor.u32 @!p1 v5, v6;
	v6 =	vand.u32 @!p1 $0x7, v7;
	v7 =	vshrl.u32 @!p1 v7, $0x3  }
0xdd: {  	v5 =	vperm.xlane @!p1 v5, v6;
	v6 =	vmul.u32 @!p1 $0x8, v7;
	_ =	sdelay $0x1  }
0xde: {  	v5 =	vadd.s32 @!p1 v6, v5;
	_ =	sdelay $0x3  }
0xdf: {  	vm1 =	vmmov @!p1 $0xffff;
	s23 =	simm.s32 @!p1 $0xEA00;
	s17 =	simm.s32 @!p1 $0x0  }
0xe0: {  	[tilespmem:s23], [sflag:$0x4] =	stream.indirect_vreg.gather @!p1 [hbm4b:s0+s17], $0x80, v5, vm1, $0xb8;
	[tilespmem:$0x1AA00] =	vst v63  }
0xe1: {  	s23 =	simm.s32 @!p1 $0xF200  }
0xe2: {  	[tilespmem:s23], [sflag:$0x4] =	stream.indirect_vreg.gather @!p1 [hbm4b:s8+s17], $0x80, v5, vm1, $0xb8;
	[tilespmem:$0x1AA00] =	vst v63  }
0xe3: {  	s23 =	simm.s32 @!p1 $0xFA00  }
0xe4: {  	[tilespmem:s23], [sflag:$0x4] =	stream.indirect_vreg.gather @!p1 [hbm4b:s9+s17], $0x80, v5, vm1, $0xb8;
	[tilespmem:$0x1AA00] =	vst v63  }
0xe5: {  	s23 =	simm.s32 @!p1 $0x10200  }
0xe6: {  	[tilespmem:s23], [sflag:$0x4] =	stream.indirect_vreg.gather @!p1 [hbm4b:s10+s17], $0x80, v5, vm1, $0xb8;
	[tilespmem:$0x1AA00] =	vst v63  }
0xe7: {  	s23 =	simm.s32 @!p1 $0x10A00  }
0xe8: {  	[tilespmem:s23], [sflag:$0x4] =	stream.indirect_vreg.gather @!p1 [hbm4b:s11+s17], $0x80, v5, vm1, $0xb8;
	[tilespmem:$0x1AA00] =	vst v63  }
0xe9: {  	s23 =	simm.s32 @!p1 $0x11200  }
0xea: {  	[tilespmem:s23], [sflag:$0x4] =	stream.indirect_vreg.gather @!p1 [hbm4b:s12+s17], $0x80, v5, vm1, $0xb8;
	[tilespmem:$0x1AA00] =	vst v63  }
0xeb: {  	s23 =	simm.s32 @!p1 $0x11A00  }
0xec: {  	[tilespmem:s23], [sflag:$0x4] =	stream.indirect_vreg.gather @!p1 [hbm4b:s13+s17], $0x80, v5, vm1, $0xb8;
	[tilespmem:$0x1AA00] =	vst v63  }
0xed: {  	s23 =	simm.s32 @!p1 $0x12200  }
0xee: {  	[tilespmem:s23], [sflag:$0x4] =	stream.indirect_vreg.gather @!p1 [hbm4b:s14+s17], $0x80, v5, vm1, $0xb8;
	[tilespmem:$0x1AA00] =	vst v63  }
0xef: {  	s23 =	simm.s32 $0x2  }
0xf0: {  	_ =	swait.ge [sflag:s23], $0x4000  }
0xf1: {  	s17 =	sadd.s32 s15, s25;
	p1 =	seq.s32 s15, $0x1E000;
	[sflag:s23] =	ssyncset.done $0x0  }
0xf2: {  	s7 =	sadd.s32 $0x800, s17;
	[sflag:s23] =	ssyncadd.s32 $0xFFFFC000;
	s23 =	simm.s32 @!p1 $0x5  }
0xf3: {  	[hbm4b:s7+s5] =	stream.linear.scatter [tilespmem:s26], [sflag:$0x6], $0x4000, $0x38;
	[tilespmem:$0x1AA00] =	vst v63  }
0xf4: {  	_ =	swait.ge @!p1 [sflag:s23], $0x4000  }
0xf5: {  	[sflag:s23] =	ssyncset.done @!p1 $0x0  }
0xf6: {  	[sflag:s23] =	ssyncadd.s32 @!p1 $0xFFFFC000  }
0xf7: {  	v5 =	vld.msk @!p1 [tilespmem:s16+$0xFFFFFFF0], $0xff;
	_ =	sdelay $0x4  }
0xf8: {  	v6 =	vshll.u32 @!p1 v5, $0x4  }
0xf9: {  	v7 =	vlaneseq.u32 @!p1;
	v5 =	vand.u32 @!p1 $0x7, v5;
	v6 =	vand.u32 @!p1 $0xFFFFFF80, v6  }
0xfa: {  	v5 =	vor.u32 @!p1 v5, v6;
	v6 =	vand.u32 @!p1 $0x7, v7;
	v7 =	vshrl.u32 @!p1 v7, $0x3  }
0xfb: {  	v5 =	vperm.xlane @!p1 v5, v6;
	v6 =	vmul.u32 @!p1 $0x8, v7;
	_ =	sdelay $0x1  }
0xfc: {  	v5 =	vadd.s32 @!p1 v6, v5;
	_ =	sdelay $0x3  }
0xfd: {  	vm1 =	vmmov @!p1 $0xffff;
	s26 =	simm.s32 @!p1 $0x2A00;
	s23 =	simm.s32 @!p1 $0x0  }
0xfe: {  	[tilespmem:s26], [sflag:$0x1] =	stream.indirect_vreg.gather @!p1 [hbm4b:s0+s23], $0x80, v5, vm1, $0xb8;
	[tilespmem:$0x1AA00] =	vst v63  }
0xff: {  	s26 =	simm.s32 @!p1 $0x3200  }
0x100: {  	[tilespmem:s26], [sflag:$0x1] =	stream.indirect_vreg.gather @!p1 [hbm4b:s8+s23], $0x80, v5, vm1, $0xb8;
	[tilespmem:$0x1AA00] =	vst v63  }
0x101: {  	s26 =	simm.s32 @!p1 $0x3A00  }
0x102: {  	[tilespmem:s26], [sflag:$0x1] =	stream.indirect_vreg.gather @!p1 [hbm4b:s9+s23], $0x80, v5, vm1, $0xb8;
	[tilespmem:$0x1AA00] =	vst v63  }
0x103: {  	s26 =	simm.s32 @!p1 $0x4200  }
0x104: {  	[tilespmem:s26], [sflag:$0x1] =	stream.indirect_vreg.gather @!p1 [hbm4b:s10+s23], $0x80, v5, vm1, $0xb8;
	[tilespmem:$0x1AA00] =	vst v63  }
0x105: {  	s26 =	simm.s32 @!p1 $0x4A00  }
0x106: {  	[tilespmem:s26], [sflag:$0x1] =	stream.indirect_vreg.gather @!p1 [hbm4b:s11+s23], $0x80, v5, vm1, $0xb8;
	[tilespmem:$0x1AA00] =	vst v63  }
0x107: {  	s26 =	simm.s32 @!p1 $0x5200  }
0x108: {  	[tilespmem:s26], [sflag:$0x1] =	stream.indirect_vreg.gather @!p1 [hbm4b:s12+s23], $0x80, v5, vm1, $0xb8;
	[tilespmem:$0x1AA00] =	vst v63  }
0x109: {  	s26 =	simm.s32 @!p1 $0x5A00  }
0x10a: {  	[tilespmem:s26], [sflag:$0x1] =	stream.indirect_vreg.gather @!p1 [hbm4b:s13+s23], $0x80, v5, vm1, $0xb8;
	[tilespmem:$0x1AA00] =	vst v63  }
0x10b: {  	s26 =	simm.s32 @!p1 $0x6200  }
0x10c: {  	[tilespmem:s26], [sflag:$0x1] =	stream.indirect_vreg.gather @!p1 [hbm4b:s14+s23], $0x80, v5, vm1, $0xb8;
	[tilespmem:$0x1AA00] =	vst v63  }
0x10d: {  	s26 =	simm.s32 $0x3  }
.Ltmp3:
0x10e: {  	_ =	swait.ge [sflag:s26], $0x4000;
	(pc) =	sbr.rel @p1 .LBB2_6-.Ltmp3, $4  }
0x10f: {  	[sflag:s26] =	ssyncset.done $0x0  }
0x110: {  	[sflag:s26] =	ssyncadd.s32 $0xFFFFC000;
	s26 =	sadd.s32 s15, s21  }
0x111: {  	[hbm4b:s26+s5] =	stream.linear.scatter [tilespmem:s6], [sflag:$0x7], $0x4000, $0x38;
	[tilespmem:$0x1AA00] =	vst v63  }
0x112: {  	s7 =	simm.s32 $0x6A00;
	s6 =	simm.s32 $0xAA00  }
0x113: {  	s23 =	simm.s32 $0x6  }
0x114: {  	_ =	swait.ge [sflag:s23], $0x4000  }
0x115: {  	[sflag:s23] =	ssyncset.done $0x0  }
0x116: {  	[sflag:s23] =	ssyncadd.s32 $0xFFFFC000  }
0x117: {  	v5 =	vld.msk [tilespmem:s16+$0xFFFFFFF8], $0xff;
	_ =	sdelay $0x4  }
0x118: {  	v6 =	vshll.u32 v5, $0x4  }
0x119: {  	v5 =	vand.u32 $0x7, v5;
	v6 =	vand.u32 $0xFFFFFF80, v6  }
0x11a: {  	v5 =	vor.u32 v5, v6  }
0x11b: {  	v5 =	vperm.xlane v5, v2;
	_ =	sdelay $0x1  }
0x11c: {  	v5 =	vadd.s32 v3, v5;
	_ =	sdelay $0x4  }
0x11d: {  	[tilespmem:s7], [sflag:$0x2] =	stream.indirect_vreg.gather [hbm4b:s0+s5], $0x80, v5, vm0, $0xb8;
	[tilespmem:$0x1AA00] =	vst v63  }
0x11e: {  	s23 =	simm.s32 $0x7200  }
0x11f: {  	[tilespmem:s23], [sflag:$0x2] =	stream.indirect_vreg.gather [hbm4b:s8+s5], $0x80, v5, vm0, $0xb8;
	[tilespmem:$0x1AA00] =	vst v63  }
0x120: {  	s26 =	simm.s32 $0x7A00  }
0x121: {  	[tilespmem:s26], [sflag:$0x2] =	stream.indirect_vreg.gather [hbm4b:s9+s5], $0x80, v5, vm0, $0xb8;
	[tilespmem:$0x1AA00] =	vst v63  }
0x122: {  	s23 =	simm.s32 $0x8200  }
0x123: {  	[tilespmem:s23], [sflag:$0x2] =	stream.indirect_vreg.gather [hbm4b:s10+s5], $0x80, v5, vm0, $0xb8;
	[tilespmem:$0x1AA00] =	vst v63  }
0x124: {  	s26 =	simm.s32 $0x8A00  }
0x125: {  	[tilespmem:s26], [sflag:$0x2] =	stream.indirect_vreg.gather [hbm4b:s11+s5], $0x80, v5, vm0, $0xb8;
	[tilespmem:$0x1AA00] =	vst v63  }
0x126: {  	s23 =	simm.s32 $0x9200  }
0x127: {  	[tilespmem:s23], [sflag:$0x2] =	stream.indirect_vreg.gather [hbm4b:s12+s5], $0x80, v5, vm0, $0xb8;
	[tilespmem:$0x1AA00] =	vst v63  }
0x128: {  	s26 =	simm.s32 $0x9A00  }
0x129: {  	[tilespmem:s26], [sflag:$0x2] =	stream.indirect_vreg.gather [hbm4b:s13+s5], $0x80, v5, vm0, $0xb8;
	[tilespmem:$0x1AA00] =	vst v63  }
0x12a: {  	s23 =	simm.s32 $0xA200;
	s26 =	simm.s32 $0x4  }
0x12b: {  	[tilespmem:s23], [sflag:$0x2] =	stream.indirect_vreg.gather [hbm4b:s14+s5], $0x80, v5, vm0, $0xb8;
	[tilespmem:$0x1AA00] =	vst v63  }
0x12c: {  	_ =	swait.ge [sflag:s26], $0x4000  }
0x12d: {  	s17 =	sadd.s32 $0x1800, s17;
	[sflag:s26] =	ssyncset.done $0x0  }
0x12e: {  	s23 =	simm.s32 $0xEA00;
	[sflag:s26] =	ssyncadd.s32 $0xFFFFC000;
	s26 =	simm.s32 $0x7  }
0x12f: {  	[hbm4b:s17+s5] =	stream.linear.scatter [tilespmem:s23], [sflag:$0x8], $0x4000, $0x38;
	[tilespmem:$0x1AA00] =	vst v63  }
0x130: {  	_ =	swait.ge [sflag:s26], $0x4000  }
0x131: {  	[sflag:s26] =	ssyncset.done $0x0  }
0x132: {  	[sflag:s26] =	ssyncadd.s32 $0xFFFFC000  }
0x133: {  	v5 =	vld.msk [tilespmem:s16+$0x0], $0xff;
	_ =	sdelay $0x4  }
0x134: {  	v6 =	vshll.u32 v5, $0x4  }
0x135: {  	v5 =	vand.u32 $0x7, v5;
	v6 =	vand.u32 $0xFFFFFF80, v6  }
0x136: {  	v5 =	vor.u32 v5, v6  }
0x137: {  	v5 =	vperm.xlane v5, v2;
	_ =	sdelay $0x1  }
0x138: {  	v5 =	vadd.s32 v3, v5;
	_ =	sdelay $0x4  }
0x139: {  	[tilespmem:s6], [sflag:$0x3] =	stream.indirect_vreg.gather [hbm4b:s0+s5], $0x80, v5, vm0, $0xb8;
	[tilespmem:$0x1AA00] =	vst v63  }
0x13a: {  	s17 =	simm.s32 $0xB200  }
0x13b: {  	[tilespmem:s17], [sflag:$0x3] =	stream.indirect_vreg.gather [hbm4b:s8+s5], $0x80, v5, vm0, $0xb8;
	[tilespmem:$0x1AA00] =	vst v63  }
0x13c: {  	s23 =	simm.s32 $0xBA00  }
0x13d: {  	[tilespmem:s23], [sflag:$0x3] =	stream.indirect_vreg.gather [hbm4b:s9+s5], $0x80, v5, vm0, $0xb8;
	[tilespmem:$0x1AA00] =	vst v63  }
0x13e: {  	s26 =	simm.s32 $0xC200  }
0x13f: {  	[tilespmem:s26], [sflag:$0x3] =	stream.indirect_vreg.gather [hbm4b:s10+s5], $0x80, v5, vm0, $0xb8;
	[tilespmem:$0x1AA00] =	vst v63  }
0x140: {  	s7 =	simm.s32 $0xCA00  }
0x141: {  	[tilespmem:s7], [sflag:$0x3] =	stream.indirect_vreg.gather [hbm4b:s11+s5], $0x80, v5, vm0, $0xb8;
	[tilespmem:$0x1AA00] =	vst v63  }
0x142: {  	s17 =	simm.s32 $0xD200  }
0x143: {  	[tilespmem:s17], [sflag:$0x3] =	stream.indirect_vreg.gather [hbm4b:s12+s5], $0x80, v5, vm0, $0xb8;
	[tilespmem:$0x1AA00] =	vst v63  }
.Ltmp4:
0x144: {  	s23 =	simm.s32 $0xDA00;
	(pc) =	sbr.rel .LBB2_4-.Ltmp4, $4  }
0x145: {  	[tilespmem:s23], [sflag:$0x3] =	stream.indirect_vreg.gather [hbm4b:s13+s5], $0x80, v5, vm0, $0xb8;
	[tilespmem:$0x1AA00] =	vst v63  }
0x146: {  	s15 =	sadd.s32 $0x2000, s15;
	s16 =	sadd.s32 $0x20, s16;
	s26 =	simm.s32 $0xE200  }
0x147: {  	[tilespmem:s26], [sflag:$0x3] =	stream.indirect_vreg.gather [hbm4b:s14+s5], $0x80, v5, vm0, $0xb8;
	[tilespmem:$0x1AA00] =	vst v63  }
0x148: {  	s6 =	simm.s32 $0xAA00;
	s7 =	simm.s32 $0x1;
	s26 =	simm.s32 $0x6A00  }
.LBB2_6:
0x149: {  	s0 =	simm.s32 $0x4  }
0x14a: {  	_ =	swait.ge [sflag:s0], $0x4000  }
0x14b: {  	[sflag:s0] =	ssyncset.done $0x0  }
0x14c: {  	s6 =	simm.s32 $0xEA00;
	s21 =	rddreg [dreg:$0x1f];
	[sflag:s0] =	ssyncadd.s32 $0xFFFFC000  }
0x14d: {  	[hbm4b:s21+s5] =	stream.linear.scatter [tilespmem:s6], [sflag:$0x8], $0x4000, $0x38;
	[tilespmem:$0x1AA00] =	vst v63  }
0x14e: {  	v5 =	vld @!p0 [tilespmem:$0x1600];
	_ =	sdelay $0x4  }
0x14f: {  	v6 =	vshll.u32 @!p0 v5, $0x4  }
0x150: {  	v7 =	vlaneseq.u32 @!p0;
	v5 =	vand.u32 @!p0 $0x7, v5;
	v6 =	vand.u32 @!p0 $0xFFFFFF80, v6  }
0x151: {  	v8 =	vshrl.u32 @!p0 v7, $0x3;
	v5 =	vor.u32 @!p0 v5, v6;
	v6 =	vand.u32 @!p0 $0x7, v7  }
0x152: {  	v8 =	vmul.u32 @!p0 $0x8, v8;
	v6 =	vperm.xlane @!p0 v5, v6;
	_ =	sdelay $0x1  }
0x153: {  	v6 =	vadd.s32 @!p0 v8, v6;
	_ =	sdelay $0x3  }
0x154: {  	vm1 =	vmmov @!p0 $0xffff;
	s15 =	simm.s32 @!p0 $0x0;
	s16 =	simm.s32 @!p0 $0x12A00  }
0x155: {  	[tilespmem:s16], [sflag:$0x9] =	stream.indirect_vreg.gather @!p0 [hbm4b:s28+s15], $0x80, v6, vm1, $0xb8;
	[tilespmem:$0x1AA00] =	vst v63  }
0x156: {  	s16 =	simm.s32 @!p0 $0x13200  }
0x157: {  	[tilespmem:s16], [sflag:$0x9] =	stream.indirect_vreg.gather @!p0 [hbm4b:s18+s15], $0x80, v6, vm1, $0xb8;
	[tilespmem:$0x1AA00] =	vst v63  }
0x158: {  	s16 =	simm.s32 @!p0 $0x13A00  }
0x159: {  	[tilespmem:s16], [sflag:$0x9] =	stream.indirect_vreg.gather @!p0 [hbm4b:s30+s15], $0x80, v6, vm1, $0xb8;
	[tilespmem:$0x1AA00] =	vst v63  }
0x15a: {  	s16 =	simm.s32 @!p0 $0x14200  }
0x15b: {  	[tilespmem:s16], [sflag:$0x9] =	stream.indirect_vreg.gather @!p0 [hbm4b:s31+s15], $0x80, v6, vm1, $0xb8;
	[tilespmem:$0x1AA00] =	vst v63  }
0x15c: {  	s16 =	simm.s32 @!p0 $0x14A00  }
0x15d: {  	v7 =	vor.u32 @!p0 $0x8, v7;
	[tilespmem:s16], [sflag:$0x9] =	stream.indirect_vreg.gather @!p0 [hbm4b:s1+s15], $0x80, v6, vm1, $0xb8;
	[tilespmem:$0x1AA00] =	vst v63  }
0x15e: {  	v5 =	vperm.xlane @!p0 v5, v7;
	s16 =	simm.s32 @!p0 $0x15200  }
0x15f: {  	[tilespmem:s16], [sflag:$0x9] =	stream.indirect_vreg.gather @!p0 [hbm4b:s19+s15], $0x80, v6, vm1, $0xb8;
	[tilespmem:$0x1AA00] =	vst v63  }
0x160: {  	v5 =	vadd.s32 @!p0 v8, v5;
	s16 =	simm.s32 @!p0 $0x15A00  }
0x161: {  	[tilespmem:s16], [sflag:$0x9] =	stream.indirect_vreg.gather @!p0 [hbm4b:s20+s15], $0x80, v6, vm1, $0xb8;
	[tilespmem:$0x1AA00] =	vst v63  }
0x162: {  	s26 =	rddreg [dreg:$0x1e];
	s16 =	simm.s32 @!p0 $0x16200  }
0x163: {  	[tilespmem:s16], [sflag:$0x9] =	stream.indirect_vreg.gather @!p0 [hbm4b:s26+s15], $0x80, v6, vm1, $0xb8;
	[tilespmem:$0x1AA00] =	vst v63  }
0x164: {  	s16 =	simm.s32 @!p0 $0x16A00  }
0x165: {  	[tilespmem:s16], [sflag:$0x9] =	stream.indirect_vreg.gather @!p0 [hbm4b:s28+s15], $0x80, v5, vm1, $0xb8;
	[tilespmem:$0x1AA00] =	vst v63  }
0x166: {  	s16 =	simm.s32 @!p0 $0x17200  }
0x167: {  	[tilespmem:s16], [sflag:$0x9] =	stream.indirect_vreg.gather @!p0 [hbm4b:s18+s15], $0x80, v5, vm1, $0xb8;
	[tilespmem:$0x1AA00] =	vst v63  }
0x168: {  	s16 =	simm.s32 @!p0 $0x17A00  }
0x169: {  	[tilespmem:s16], [sflag:$0x9] =	stream.indirect_vreg.gather @!p0 [hbm4b:s30+s15], $0x80, v5, vm1, $0xb8;
	[tilespmem:$0x1AA00] =	vst v63  }
0x16a: {  	s16 =	simm.s32 @!p0 $0x18200  }
0x16b: {  	[tilespmem:s16], [sflag:$0x9] =	stream.indirect_vreg.gather @!p0 [hbm4b:s31+s15], $0x80, v5, vm1, $0xb8;
	[tilespmem:$0x1AA00] =	vst v63  }
0x16c: {  	s16 =	simm.s32 @!p0 $0x18A00  }
0x16d: {  	[tilespmem:s16], [sflag:$0x9] =	stream.indirect_vreg.gather @!p0 [hbm4b:s1+s15], $0x80, v5, vm1, $0xb8;
	[tilespmem:$0x1AA00] =	vst v63  }
0x16e: {  	s16 =	simm.s32 @!p0 $0x19200  }
0x16f: {  	[tilespmem:s16], [sflag:$0x9] =	stream.indirect_vreg.gather @!p0 [hbm4b:s19+s15], $0x80, v5, vm1, $0xb8;
	[tilespmem:$0x1AA00] =	vst v63  }
0x170: {  	s16 =	simm.s32 @!p0 $0x19A00  }
0x171: {  	[tilespmem:s16], [sflag:$0x9] =	stream.indirect_vreg.gather @!p0 [hbm4b:s20+s15], $0x80, v5, vm1, $0xb8;
	[tilespmem:$0x1AA00] =	vst v63  }
0x172: {  	s22 =	simm.s32 $0x5;
	s16 =	simm.s32 @!p0 $0x1A200  }
0x173: {  	[tilespmem:s16], [sflag:$0x9] =	stream.indirect_vreg.gather @!p0 [hbm4b:s26+s15], $0x80, v5, vm1, $0xb8;
	[tilespmem:$0x1AA00] =	vst v63  }
0x174: {  	_ =	swait.ge [sflag:s22], $0x4000  }
0x175: {  	s0 =	sld [smem:$0x7F6];
	_ =	sdelay $0x2  }
0x176: {  	s23 =	simm.s32 $0x6;
	[sflag:s22] =	ssyncset.done $0x0;
	s16 =	sadd.s32 @!p0 $0xF, s0  }
0x177: {  	s25 =	simm.s32 $0x7;
	[sflag:s22] =	ssyncadd.s32 $0xFFFFC000;
	s17 =	sand.u32 @!p0 $0xF, s16  }
0x178: {  	_ =	swait.ge [sflag:s23], $0x4000;
	p1 =	slt.s32 @!p0 s16, $0x0;
	p2 =	sne.s32 @!p0 s17, $0x0  }
0x179: {  	[sflag:s23] =	ssyncset.done $0x0;
	s17 =	sshra.s32 @!p0 s16, $0x1F;
	p1 =	por @!p0 !p1, !p2  }
0x17a: {  	[sflag:s23] =	ssyncadd.s32 $0xFFFFC000;
	s17 =	sshrl.u32 @!p0 s17, $0x1C;
	p1 =	por @!p0 !p1, !p1  }
0x17b: {  	s16 =	sadd.s32 @!p0 s17, s16;
	s17 =	simm.s32 @!p0 $0x1;
	p1 =	por !p1, p0  }
0x17c: {  	_ =	swait.ge [sflag:s25], $0x4000;
	s16 =	sshra.s32 @!p0 s16, $0x4;
	s17 =	simm.s32 @p1 $0x0  }
0x17d: {  	[sflag:s25] =	ssyncset.done $0x0;
	s16 =	ssub.s32 @!p0 s16, s17  }
0x17e: {  	s26 =	simm.s32 $0x8;
	[sflag:s25] =	ssyncadd.s32 $0xFFFFC000;
	p1 =	slt.s32 @!p0 s16, $0x1  }
0x17f: {  	_ =	swait.ge [sflag:s26], $0x4000;
	p1 =	por p0, p1  }
.Ltmp5:
0x180: {  	s25 =	rddreg [dreg:$0x19];
	(pc) =	sbr.rel @p1 .LBB2_9-.Ltmp5, $4  }
0x181: {  	s0 =	smov.u32 s4;
	s4 =	sld [smem:$0x7FC]  }
0x182: {  	s6 =	sld [smem:$0x7FB]  }
0x183: {  	s8 =	simm.s32 $0x1;
	[sflag:s26] =	ssyncset.done $0x0;
	s7 =	rddreg [dreg:$0x1c]  }
0x184: {  	s9 =	simm.s32 $0x9;
	s21 =	rddreg [dreg:$0x1d];
	[sflag:s26] =	ssyncadd.s32 $0xFFFFC000  }
0x185: {  	s22 =	smov.u32 s28;
	s23 =	simm.s32 @!p0 $0x1680;
	s17 =	simm.s32 @!p0 $0x200  }
.LBB2_8:
0x186: {  	_ =	swait.ge [sflag:s9], $0x8000  }
0x187: {  	[sflag:s9] =	ssyncset.done $0x0  }
0x188: {  	[sflag:s9] =	ssyncadd.s32 $0xFFFF8000  }
0x189: {  	v5 =	vld [tilespmem:s17+$0x0];
	_ =	sdelay $0x4  }
0x18a: {  	v6 =	vshll.u32 v5, $0x4  }
0x18b: {  	v5 =	vand.u32 $0x7, v5;
	v6 =	vand.u32 $0xFFFFFF80, v6  }
0x18c: {  	v5 =	vor.u32 v5, v6  }
0x18d: {  	v6 =	vperm.xlane v5, v2;
	_ =	sdelay $0x1  }
0x18e: {  	v6 =	vadd.s32 v3, v6;
	_ =	sdelay $0x3  }
0x18f: {  	s26 =	rddreg [dreg:$0x5]  }
0x190: {  	[hbm4b:s29+s5] =	stream.indirect_vreg.scatter [tilespmem:s26], [sflag:$0x1], $0x80, v6, vm0, $0xb8;
	[tilespmem:$0x1AA00] =	vst v63  }
0x191: {  	s28 =	rddreg [dreg:$0x6]  }
0x192: {  	[hbm4b:s25+s5] =	stream.indirect_vreg.scatter [tilespmem:s28], [sflag:$0x1], $0x80, v6, vm0, $0xb8;
	[tilespmem:$0x1AA00] =	vst v63  }
0x193: {  	s26 =	rddreg [dreg:$0x7]  }
0x194: {  	[hbm4b:s7+s5] =	stream.indirect_vreg.scatter [tilespmem:s26], [sflag:$0x1], $0x80, v6, vm0, $0xb8;
	[tilespmem:$0x1AA00] =	vst v63  }
0x195: {  	s10 =	rddreg [dreg:$0x8]  }
0x196: {  	[hbm4b:s6+s5] =	stream.indirect_vreg.scatter [tilespmem:s10], [sflag:$0x1], $0x80, v6, vm0, $0xb8;
	[tilespmem:$0x1AA00] =	vst v63  }
0x197: {  	s26 =	rddreg [dreg:$0x9]  }
0x198: {  	[hbm4b:s4+s5] =	stream.indirect_vreg.scatter [tilespmem:s26], [sflag:$0x1], $0x80, v6, vm0, $0xb8;
	[tilespmem:$0x1AA00] =	vst v63  }
0x199: {  	v5 =	vperm.xlane v5, v4;
	s10 =	rddreg [dreg:$0xa]  }
0x19a: {  	[hbm4b:s0+s5] =	stream.indirect_vreg.scatter [tilespmem:s10], [sflag:$0x1], $0x80, v6, vm0, $0xb8;
	[tilespmem:$0x1AA00] =	vst v63  }
0x19b: {  	v5 =	vadd.s32 v3, v5;
	s26 =	rddreg [dreg:$0xb]  }
0x19c: {  	[hbm4b:s21+s5] =	stream.indirect_vreg.scatter [tilespmem:s26], [sflag:$0x1], $0x80, v6, vm0, $0xb8;
	[tilespmem:$0x1AA00] =	vst v63  }
0x19d: {  	s10 =	rddreg [dreg:$0xc]  }
0x19e: {  	[hbm4b:s3+s5] =	stream.indirect_vreg.scatter [tilespmem:s10], [sflag:$0x1], $0x80, v6, vm0, $0xb8;
	[tilespmem:$0x1AA00] =	vst v63  }
0x19f: {  	s26 =	rddreg [dreg:$0xd]  }
0x1a0: {  	[hbm4b:s29+s5] =	stream.indirect_vreg.scatter [tilespmem:s26], [sflag:$0x1], $0x80, v5, vm0, $0xb8;
	[tilespmem:$0x1AA00] =	vst v63  }
0x1a1: {  	s10 =	rddreg [dreg:$0xe]  }
0x1a2: {  	[hbm4b:s25+s5] =	stream.indirect_vreg.scatter [tilespmem:s10], [sflag:$0x1], $0x80, v5, vm0, $0xb8;
	[tilespmem:$0x1AA00] =	vst v63  }
0x1a3: {  	s26 =	rddreg [dreg:$0xf]  }
0x1a4: {  	[hbm4b:s7+s5] =	stream.indirect_vreg.scatter [tilespmem:s26], [sflag:$0x1], $0x80, v5, vm0, $0xb8;
	[tilespmem:$0x1AA00] =	vst v63  }
0x1a5: {  	s10 =	rddreg [dreg:$0x10]  }
0x1a6: {  	[hbm4b:s6+s5] =	stream.indirect_vreg.scatter [tilespmem:s10], [sflag:$0x1], $0x80, v5, vm0, $0xb8;
	[tilespmem:$0x1AA00] =	vst v63  }
0x1a7: {  	s26 =	rddreg [dreg:$0x11]  }
0x1a8: {  	[hbm4b:s4+s5] =	stream.indirect_vreg.scatter [tilespmem:s26], [sflag:$0x1], $0x80, v5, vm0, $0xb8;
	[tilespmem:$0x1AA00] =	vst v63  }
0x1a9: {  	s10 =	rddreg [dreg:$0x12]  }
0x1aa: {  	[hbm4b:s0+s5] =	stream.indirect_vreg.scatter [tilespmem:s10], [sflag:$0x1], $0x80, v5, vm0, $0xb8;
	[tilespmem:$0x1AA00] =	vst v63  }
0x1ab: {  	s26 =	rddreg [dreg:$0x13]  }
0x1ac: {  	[hbm4b:s21+s5] =	stream.indirect_vreg.scatter [tilespmem:s26], [sflag:$0x1], $0x80, v5, vm0, $0xb8;
	[tilespmem:$0x1AA00] =	vst v63  }
0x1ad: {  	s10 =	rddreg [dreg:$0x14]  }
0x1ae: {  	[hbm4b:s3+s5] =	stream.indirect_vreg.scatter [tilespmem:s10], [sflag:$0x1], $0x80, v5, vm0, $0xb8;
	[tilespmem:$0x1AA00] =	vst v63  }
0x1af: {  	_ =	swait.ge [sflag:s8], $0x8000  }
0x1b0: {  	s15 =	sadd.s32 $0x1, s15;
	[sflag:s8] =	ssyncset.done $0x0  }
0x1b1: {  	p0 =	sge.s32 s15, s16;
	[sflag:s8] =	ssyncadd.s32 $0xFFFF8000  }
0x1b2: {  	v5 =	vld @!p0 [tilespmem:s23+$0x0];
	_ =	sdelay $0x4  }
0x1b3: {  	v6 =	vshll.u32 @!p0 v5, $0x4  }
0x1b4: {  	v7 =	vlaneseq.u32 @!p0;
	v5 =	vand.u32 @!p0 $0x7, v5;
	v6 =	vand.u32 @!p0 $0xFFFFFF80, v6  }
0x1b5: {  	v8 =	vshrl.u32 @!p0 v7, $0x3;
	v5 =	vor.u32 @!p0 v5, v6;
	v6 =	vand.u32 @!p0 $0x7, v7  }
0x1b6: {  	v8 =	vmul.u32 @!p0 $0x8, v8;
	v6 =	vperm.xlane @!p0 v5, v6;
	_ =	sdelay $0x1  }
0x1b7: {  	v6 =	vadd.s32 @!p0 v8, v6;
	_ =	sdelay $0x3  }
0x1b8: {  	vm1 =	vmmov @!p0 $0xffff;
	s28 =	simm.s32 @!p0 $0x12A00;
	s26 =	simm.s32 @!p0 $0x0  }
0x1b9: {  	[tilespmem:s28], [sflag:$0x9] =	stream.indirect_vreg.gather @!p0 [hbm4b:s22+s26], $0x80, v6, vm1, $0xb8;
	[tilespmem:$0x1AA00] =	vst v63  }
0x1ba: {  	s28 =	simm.s32 @!p0 $0x13200  }
0x1bb: {  	[tilespmem:s28], [sflag:$0x9] =	stream.indirect_vreg.gather @!p0 [hbm4b:s18+s26], $0x80, v6, vm1, $0xb8;
	[tilespmem:$0x1AA00] =	vst v63  }
0x1bc: {  	s28 =	simm.s32 @!p0 $0x13A00  }
0x1bd: {  	[tilespmem:s28], [sflag:$0x9] =	stream.indirect_vreg.gather @!p0 [hbm4b:s30+s26], $0x80, v6, vm1, $0xb8;
	[tilespmem:$0x1AA00] =	vst v63  }
0x1be: {  	s28 =	simm.s32 @!p0 $0x14200  }
0x1bf: {  	[tilespmem:s28], [sflag:$0x9] =	stream.indirect_vreg.gather @!p0 [hbm4b:s31+s26], $0x80, v6, vm1, $0xb8;
	[tilespmem:$0x1AA00] =	vst v63  }
0x1c0: {  	s28 =	simm.s32 @!p0 $0x14A00  }
0x1c1: {  	v7 =	vor.u32 @!p0 $0x8, v7;
	[tilespmem:s28], [sflag:$0x9] =	stream.indirect_vreg.gather @!p0 [hbm4b:s1+s26], $0x80, v6, vm1, $0xb8;
	[tilespmem:$0x1AA00] =	vst v63  }
0x1c2: {  	v5 =	vperm.xlane @!p0 v5, v7;
	s28 =	simm.s32 @!p0 $0x15200  }
0x1c3: {  	[tilespmem:s28], [sflag:$0x9] =	stream.indirect_vreg.gather @!p0 [hbm4b:s19+s26], $0x80, v6, vm1, $0xb8;
	[tilespmem:$0x1AA00] =	vst v63  }
0x1c4: {  	v5 =	vadd.s32 @!p0 v8, v5;
	s28 =	simm.s32 @!p0 $0x15A00  }
0x1c5: {  	[tilespmem:s28], [sflag:$0x9] =	stream.indirect_vreg.gather @!p0 [hbm4b:s20+s26], $0x80, v6, vm1, $0xb8;
	[tilespmem:$0x1AA00] =	vst v63  }
0x1c6: {  	s10 =	smov.u32 s3;
	s3 =	rddreg [dreg:$0x1e];
	s28 =	simm.s32 @!p0 $0x16200  }
0x1c7: {  	[tilespmem:s28], [sflag:$0x9] =	stream.indirect_vreg.gather @!p0 [hbm4b:s3+s26], $0x80, v6, vm1, $0xb8;
	[tilespmem:$0x1AA00] =	vst v63  }
0x1c8: {  	s28 =	simm.s32 @!p0 $0x16A00  }
0x1c9: {  	[tilespmem:s28], [sflag:$0x9] =	stream.indirect_vreg.gather @!p0 [hbm4b:s22+s26], $0x80, v5, vm1, $0xb8;
	[tilespmem:$0x1AA00] =	vst v63  }
0x1ca: {  	s28 =	simm.s32 @!p0 $0x17200  }
0x1cb: {  	[tilespmem:s28], [sflag:$0x9] =	stream.indirect_vreg.gather @!p0 [hbm4b:s18+s26], $0x80, v5, vm1, $0xb8;
	[tilespmem:$0x1AA00] =	vst v63  }
0x1cc: {  	s28 =	simm.s32 @!p0 $0x17A00  }
0x1cd: {  	[tilespmem:s28], [sflag:$0x9] =	stream.indirect_vreg.gather @!p0 [hbm4b:s30+s26], $0x80, v5, vm1, $0xb8;
	[tilespmem:$0x1AA00] =	vst v63  }
0x1ce: {  	s28 =	simm.s32 @!p0 $0x18200  }
0x1cf: {  	[tilespmem:s28], [sflag:$0x9] =	stream.indirect_vreg.gather @!p0 [hbm4b:s31+s26], $0x80, v5, vm1, $0xb8;
	[tilespmem:$0x1AA00] =	vst v63  }
0x1d0: {  	s28 =	simm.s32 @!p0 $0x18A00  }
0x1d1: {  	[tilespmem:s28], [sflag:$0x9] =	stream.indirect_vreg.gather @!p0 [hbm4b:s1+s26], $0x80, v5, vm1, $0xb8;
	[tilespmem:$0x1AA00] =	vst v63  }
0x1d2: {  	s28 =	simm.s32 @!p0 $0x19200  }
0x1d3: {  	[tilespmem:s28], [sflag:$0x9] =	stream.indirect_vreg.gather @!p0 [hbm4b:s19+s26], $0x80, v5, vm1, $0xb8;
	[tilespmem:$0x1AA00] =	vst v63  }
0x1d4: {  	s28 =	simm.s32 @!p0 $0x19A00  }
0x1d5: {  	[tilespmem:s28], [sflag:$0x9] =	stream.indirect_vreg.gather @!p0 [hbm4b:s20+s26], $0x80, v5, vm1, $0xb8;
	[tilespmem:$0x1AA00] =	vst v63  }
0x1d6: {  	s3 =	rddreg [dreg:$0x1e];
	s28 =	simm.s32 @!p0 $0x1A200  }
0x1d7: {  	[tilespmem:s28], [sflag:$0x9] =	stream.indirect_vreg.gather @!p0 [hbm4b:s3+s26], $0x80, v5, vm1, $0xb8;
	[tilespmem:$0x1AA00] =	vst v63  }
0x1d8: {  	p0 =	sne.s32 s16, s15  }
.Ltmp6:
0x1d9: {  	_ = 	snop;
	(pc) =	sbr.rel @p0 .LBB2_8-.Ltmp6, $2  }
0x1da: {  	_ =	sdelay $0x2  }
0x1db: {  	s17 =	sadd.s32 $0x80, s17;
	s23 =	sadd.s32 $0x80, s23;
	s3 =	smov.u32 s10  }
.Ltmp7:
0x1dc: {  	_ = 	snop;
	(pc) =	sbr.rel .LBB2_9-.Ltmp7, $1  }
0x1dd: {  	_ =	sdelay $0x3  }
.LBB2_10:
0x1de: {  	_ =	sfence.sel $0x180000  }
0x1df: {  	[bflag:$0x0] =	sbarrier.arrive $0xFFFF  }
0x1e0: {  	_ =	strace $0x90000047  }
0x1e1: {  	s0 =	stileid.u32;
	[bflag:$0x2] =	sbarrier.arrive $0xFFFF  }
0x1e2: {  	p0 =	sne.s32 s0, $0x0;
	s0 =	rddreg [dreg:$0x4]  }
0x1e3: {  	s0 =	sadd.s32 @!p0 $0x100000, s0  }
0x1e4: {  	[sflag:s0] =	ssyncadd.tile.s32 @!p0 $0x1;
	_ =	shalt  }
.Lfunc_end2:
_tile_overlayer_lowered:
.L_overlay_start_2:
0x1e5: {  	(tag) =	ssettag $0x2  }
0x1e6: {  	s0 =	rddreg [dreg:$0x0];
	s2 =	stileid.u32  }
0x1e7: {  	s1 =	rddreg [dreg:$0x1];
	p0 =	sne.s32 s2, $0x0  }
0x1e8: {  	s3 =	rddreg [dreg:$0x2];
	[bflag:$0x3] =	sbarrier.arrive $0xFFFF;
	s2 =	simm.s32 @!p0 $0x1C0A  }
0x1e9: {  	[timem:s3], [sflag:s2] =	dma.local @!p0 [hbm:s0], s1  }
0x1ea: {  	s0 =	simm.s32 @!p0 $0xA  }
0x1eb: {  	_ =	swait.ge @!p0 [sflag:s0], s1  }
0x1ec: {  	s1 =	ssub.s32 @!p0 $0x0, s1;
	[sflag:s0] =	ssyncset.done @!p0 $0x0  }
0x1ed: {  	[sflag:s0] =	ssyncadd.s32 @!p0 s1  }
0x1ee: {  	[bflag:$0x3] =	sbarrier.arrive $0xFFFF  }
0x1ef: {  	_ =	shalt  }

</sc_bundles>
